<compile_context>
chip_gen: v7x
topology: tpu7x:2x2x1
jax: 0.10.2.dev20260603
libtpu: 0.0.44.dev20260713+nightly
codegen_flags: <defaults>
</compile_context>

<pallas_src>
import functools

import jax
import jax.numpy as jnp
from jax import lax
from jax.experimental import pallas as pl
from jax.experimental.pallas import tpu as pltpu
from jax.experimental.pallas import tpu_sc as plsc

_NC = 2
_NS = 16
_NW = _NC * _NS
_LANES = 16
_IDX_CHUNK = 100


def _gather_pool_kernel(batch, hist, dim):
    n_chunk = hist // _IDX_CHUNK
    b_per_w = batch // _NW
    vregs = dim // _LANES
    mesh = plsc.VectorSubcoreMesh(core_axis_name="c", subcore_axis_name="s")

    unroll = 8

    @functools.partial(
        pl.kernel,
        mesh=mesh,
        out_type=jax.ShapeDtypeStruct((batch, dim), jnp.float32),
        scratch_types=[
            pltpu.VMEM((b_per_w, n_chunk, _IDX_CHUNK), jnp.int32),
            pltpu.VMEM((hist, dim), jnp.float32),
            pltpu.VMEM((hist, dim), jnp.float32),
            pltpu.VMEM((b_per_w, dim), jnp.float32),
            pltpu.SemaphoreType.DMA,
            pltpu.SemaphoreType.DMA,
        ],
        compiler_params=pltpu.CompilerParams(use_tc_tiling_on_sc=False),
    )
    def k(ids_hbm, emb_hbm, out_hbm, idx_v, rows0, rows1, out_v, sem0, sem1):
        wid = lax.axis_index("s") * _NC + lax.axis_index("c")
        base = wid * b_per_w

        def gather(s, rows, sem):
            for c in range(n_chunk):
                pltpu.async_copy(
                    emb_hbm.at[idx_v.at[s].at[c]],
                    rows.at[pl.ds(c * _IDX_CHUNK, _IDX_CHUNK)],
                    sem,
                )

        def drain(rows, sem):
            for c in range(n_chunk):
                pltpu.make_async_copy(
                    emb_hbm.at[idx_v.at[0].at[c]],
                    rows.at[pl.ds(c * _IDX_CHUNK, _IDX_CHUNK)],
                    sem,
                ).wait()

        def accum(rows, s_out):
            def acc_body(j, carry):
                new = carry
                for u in range(unroll):
                    new = tuple(
                        new[v] + rows[j * unroll + u, pl.ds(v * _LANES, _LANES)]
                        for v in range(vregs)
                    )
                return new

            acc = lax.fori_loop(
                0, hist // unroll, acc_body,
                tuple(jnp.zeros((_LANES,), jnp.float32) for _ in range(vregs)),
            )
            for v in range(vregs):
                out_v[s_out, pl.ds(v * _LANES, _LANES)] = acc[v]

        pltpu.sync_copy(ids_hbm.at[pl.ds(base, b_per_w)], idx_v)
        gather(0, rows0, sem0)

        def step(t, _):
            sa = 2 * t
            sb = 2 * t + 1
            gather(sb, rows1, sem1)
            drain(rows0, sem0)
            accum(rows0, sa)
            gather(jnp.minimum(sa + 2, b_per_w - 1), rows0, sem0)
            drain(rows1, sem1)
            accum(rows1, sb)
            return 0

        lax.fori_loop(0, b_per_w // 2, step, 0)
        drain(rows0, sem0)
        pltpu.sync_copy(out_v, out_hbm.at[pl.ds(base, b_per_w)])

    return k


def _mlp_body(inv_hist, sums_ref, w1_ref, b1_ref, w2_ref, b2_ref, out_ref):
    pooled = sums_ref[...] * inv_hist
    h = jnp.tanh(
        jnp.dot(pooled, w1_ref[...], preferred_element_type=jnp.float32)
        + b1_ref[...]
    )
    out_ref[...] = (
        jnp.dot(h, w2_ref[...], preferred_element_type=jnp.float32) + b2_ref[...]
    )


def kernel(input_ids, embedding, W1, b1, W2, b2):
    batch, hist = input_ids.shape
    _, dim = embedding.shape
    n_chunk = hist // _IDX_CHUNK

    ids = input_ids.astype(jnp.int32).reshape(batch, n_chunk, _IDX_CHUNK)
    sums = _gather_pool_kernel(batch, hist, dim)(ids, embedding)

    out = pl.pallas_call(
        functools.partial(_mlp_body, 1.0 / hist),
        out_shape=jax.ShapeDtypeStruct((batch, 1), jnp.float32),
    )(sums, W1, b1.reshape(1, -1), W2, b2.reshape(1, 1))
    return out[:, 0]

# --- scband reference (transcript-rebuilt; emitter-appended) ---
"""Pipeline reference for scband-simple-reward-model-2027224564144 (READ-ONLY COPY).

The authoritative reference and input builder live on the scoring server;
editing this copy changes nothing except your own understanding.
"""

import jax, jax.numpy as jnp
import numpy as np

VOCAB = 1000000
DIM = 64
HIDDEN = 64
BATCH = 4096
HIST = 200

def setup_inputs(seed: int = 0) -> dict:
    key = jax.random.key(seed)
    k_ids, k_emb, k_w1, k_b1, k_w2, k_b2 = jax.random.split(key, 6)
    input_ids = jax.random.randint(k_ids, (BATCH, HIST), 0, VOCAB, dtype=jnp.int64 if jax.config.jax_enable_x64 else jnp.int32)
    embedding = jax.random.normal(k_emb, (VOCAB, DIM), dtype=jnp.float32)
    W1 = jax.random.normal(k_w1, (DIM, HIDDEN), dtype=jnp.float32) * (1.0 / np.sqrt(DIM))
    b1 = jnp.zeros((HIDDEN,), dtype=jnp.float32)
    W2 = jax.random.normal(k_w2, (HIDDEN, 1), dtype=jnp.float32) * (1.0 / np.sqrt(HIDDEN))
    b2 = jnp.zeros((1,), dtype=jnp.float32)
    return {"input_ids": input_ids, "embedding": embedding, "W1": W1, "b1": b1, "W2": W2, "b2": b2}

def reference(input_ids, embedding, W1, b1, W2, b2):
    # emb = self.embedding(input_ids)
    emb = jnp.take(embedding, input_ids, axis=0)  # [B, L, D]
    # pooled = emb.mean(dim=1)
    pooled = emb.mean(axis=1)  # [B, D]
    # score MLP: Linear -> Tanh -> Linear
    h = jnp.tanh(pooled @ W1 + b1)
    out = h @ W2 + b2  # [B, 1]
    return out.squeeze(-1)  # [B]

if __name__ == "__main__":
    import jax
    _d = setup_inputs()
    print(jax.jit(kernel)(*tuple(_d.values())))

</pallas_src>

<mosaic_0001>
#map = affine_map<(d0, d1) -> (0, 0, 0)>
#map1 = affine_map<(d0, d1) -> (0, 0)>
module attributes {stable_mosaic.version = 14 : i64} {
  func.func @k(%arg0: i32, %arg1: i32, %arg2: memref<4096x2x100xi32, #tpu.memory_space<hbm>>, %arg3: memref<1000000x64xf32, #tpu.memory_space<hbm>>, %arg4: memref<4096x64xf32, #tpu.memory_space<hbm>>, %arg5: memref<128x2x100xi32, #tpu.memory_space<vmem>>, %arg6: memref<200x64xf32, #tpu.memory_space<vmem>>, %arg7: memref<200x64xf32, #tpu.memory_space<vmem>>, %arg8: memref<128x64xf32, #tpu.memory_space<vmem>>, %arg9: memref<!tpu.dma_semaphore, #tpu.memory_space<semaphore_mem>>, %arg10: memref<!tpu.dma_semaphore, #tpu.memory_space<semaphore_mem>>) attributes {dimension_semantics = [#tpu.dimension_semantics<core_parallel>, #tpu.dimension_semantics<subcore_parallel>], iteration_bounds = array<i64: 2, 16>, scalar_prefetch = 0 : i64, scratch_operands = 6 : i64, tpu.core_type = #tpu.core_type<sc_vector_subcore>, window_params = [{transform_indices = #map}, {transform_indices = #map1}, {transform_indices = #map1}]} {
    %mul3A = arith.constant 2 : i32
    %mul3A_0 = arith.muli %arg1, %mul3A : i32
    %add3A = arith.addi %mul3A_0, %arg0 : i32
    %mul3A_1 = arith.constant 128 : i32
    %mul3A_2 = arith.muli %add3A, %mul3A_1 : i32
    "tpu.region"() ({
      %run_scoped3A = tpu.sem_alloc : memref<!tpu.dma_semaphore, #tpu.memory_space<semaphore_mem>>
      %dma_start3A_67 = arith.constant 0 : i32
      %dma_start3A_68 = arith.constant 0 : i32
      %dma_start3A_69 = tpu.memref_slice %arg2[%mul3A_2, %dma_start3A_67, %dma_start3A_68] : memref<4096x2x100xi32, #tpu.memory_space<hbm>> -> memref<128x2x100xi32, #tpu.memory_space<hbm>>
      %dma_start3A_70 = arith.constant 0 : i32
      %dma_start3A_71 = arith.constant 0 : i32
      %dma_start3A_72 = tpu.memref_slice %arg2[%mul3A_2, %dma_start3A_70, %dma_start3A_71] : memref<4096x2x100xi32, #tpu.memory_space<hbm>> -> memref<128x2x100xi32, #tpu.memory_space<hbm>>
      tpu.enqueue_dma source(%dma_start3A_72 : memref<128x2x100xi32, #tpu.memory_space<hbm>>) target(%arg5 : memref<128x2x100xi32, #tpu.memory_space<vmem>>) target_semaphore(%run_scoped3A : memref<!tpu.dma_semaphore, #tpu.memory_space<semaphore_mem>>)
      %dma_wait3A_73 = arith.constant 0 : i32
      %dma_wait3A_74 = arith.constant 0 : i32
      %dma_wait3A_75 = tpu.memref_slice %arg2[%mul3A_2, %dma_wait3A_73, %dma_wait3A_74] : memref<4096x2x100xi32, #tpu.memory_space<hbm>> -> memref<128x2x100xi32, #tpu.memory_space<hbm>>
      %dma_wait3A_76 = arith.constant 0 : i32
      %dma_wait3A_77 = arith.constant 0 : i32
      %dma_wait3A_78 = tpu.memref_slice %arg2[%mul3A_2, %dma_wait3A_76, %dma_wait3A_77] : memref<4096x2x100xi32, #tpu.memory_space<hbm>> -> memref<128x2x100xi32, #tpu.memory_space<hbm>>
      tpu.wait_dma2 semaphore(%run_scoped3A : memref<!tpu.dma_semaphore, #tpu.memory_space<semaphore_mem>>) src(%dma_wait3A_78 : memref<128x2x100xi32, #tpu.memory_space<hbm>>) dst(%arg5 : memref<128x2x100xi32, #tpu.memory_space<vmem>>)
      tpu.yield
    }) : () -> ()
    %dma_start3A = arith.constant 0 : i32
    %dma_start3A_3 = arith.constant 0 : i32
    %dma_start3A_4 = arith.constant 0 : i32
    %dma_start3A_5 = arith.constant 0 : i32
    %dma_start3A_6 = tpu.memref_slice %arg6[%dma_start3A_4, %dma_start3A_5] : memref<200x64xf32, #tpu.memory_space<vmem>> -> memref<100x64xf32, #tpu.memory_space<vmem>>
    %dma_start3A_7 = arith.constant 0 : i32
    %dma_start3A_8 = arith.constant 0 : i32
    %dma_start3A_9 = tpu.memref_slice %arg5[%dma_start3A, %dma_start3A_7, %dma_start3A_8] : memref<128x2x100xi32, #tpu.memory_space<vmem>> -> memref<1x2x100xi32, #tpu.memory_space<vmem>>
    %dma_start3A_10 = tpu.memref_squeeze %dma_start3A_9 : memref<1x2x100xi32, #tpu.memory_space<vmem>> -> memref<2x100xi32, #tpu.memory_space<vmem>>
    %dma_start3A_11 = arith.constant 0 : i32
    %dma_start3A_12 = tpu.memref_slice %dma_start3A_10[%dma_start3A_3, %dma_start3A_11] : memref<2x100xi32, #tpu.memory_space<vmem>> -> memref<1x100xi32, #tpu.memory_space<vmem>>
    %dma_start3A_13 = tpu.memref_squeeze %dma_start3A_12 : memref<1x100xi32, #tpu.memory_space<vmem>> -> memref<100xi32, #tpu.memory_space<vmem>>
    %dma_start3A_14 = arith.constant 0 : i32
    %dma_start3A_15 = arith.constant 0 : i32
    %dma_start3A_16 = tpu.memref_slice %arg3[%dma_start3A_14, %dma_start3A_15] : memref<1000000x64xf32, #tpu.memory_space<hbm>> -> memref<1000000x64xf32, #tpu.memory_space<hbm>>
    tpu.enqueue_indirect_dma source(%dma_start3A_16 : memref<1000000x64xf32, #tpu.memory_space<hbm>>) target(%dma_start3A_6 : memref<100x64xf32, #tpu.memory_space<vmem>>) offsets(%dma_start3A_13 : memref<100xi32, #tpu.memory_space<vmem>>) semaphore(%arg9 : memref<!tpu.dma_semaphore, #tpu.memory_space<semaphore_mem>>)
    %dma_start3A_17 = arith.constant 0 : i32
    %dma_start3A_18 = arith.constant 1 : i32
    %dma_start3A_19 = arith.constant 100 : i32
    %dma_start3A_20 = arith.constant 0 : i32
    %dma_start3A_21 = tpu.memref_slice %arg6[%dma_start3A_19, %dma_start3A_20] : memref<200x64xf32, #tpu.memory_space<vmem>> -> memref<100x64xf32, #tpu.memory_space<vmem>>
    %dma_start3A_22 = arith.constant 0 : i32
    %dma_start3A_23 = arith.constant 0 : i32
    %dma_start3A_24 = tpu.memref_slice %arg5[%dma_start3A_17, %dma_start3A_22, %dma_start3A_23] : memref<128x2x100xi32, #tpu.memory_space<vmem>> -> memref<1x2x100xi32, #tpu.memory_space<vmem>>
    %dma_start3A_25 = tpu.memref_squeeze %dma_start3A_24 : memref<1x2x100xi32, #tpu.memory_space<vmem>> -> memref<2x100xi32, #tpu.memory_space<vmem>>
    %dma_start3A_26 = arith.constant 0 : i32
    %dma_start3A_27 = tpu.memref_slice %dma_start3A_25[%dma_start3A_18, %dma_start3A_26] : memref<2x100xi32, #tpu.memory_space<vmem>> -> memref<1x100xi32, #tpu.memory_space<vmem>>
    %dma_start3A_28 = tpu.memref_squeeze %dma_start3A_27 : memref<1x100xi32, #tpu.memory_space<vmem>> -> memref<100xi32, #tpu.memory_space<vmem>>
    %dma_start3A_29 = arith.constant 0 : i32
    %dma_start3A_30 = arith.constant 0 : i32
    %dma_start3A_31 = tpu.memref_slice %arg3[%dma_start3A_29, %dma_start3A_30] : memref<1000000x64xf32, #tpu.memory_space<hbm>> -> memref<1000000x64xf32, #tpu.memory_space<hbm>>
    tpu.enqueue_indirect_dma source(%dma_start3A_31 : memref<1000000x64xf32, #tpu.memory_space<hbm>>) target(%dma_start3A_21 : memref<100x64xf32, #tpu.memory_space<vmem>>) offsets(%dma_start3A_28 : memref<100xi32, #tpu.memory_space<vmem>>) semaphore(%arg9 : memref<!tpu.dma_semaphore, #tpu.memory_space<semaphore_mem>>)
    %scan3A = arith.constant 0 : i32
    %scan3A_32 = arith.constant 0 : i32
    %scan3A_33 = arith.constant 64 : i32
    %scan3A_34 = arith.addi %scan3A_32, %scan3A_33 : i32
    %scan3A_35 = arith.constant 1 : i32
    %scan3A_36 = scf.for %scan3A_67 = %scan3A_32 to %scan3A_34 step %scan3A_35 iter_args(%scan3A_68 = %scan3A) -> (i32)  : i32 {
      %mul3A_69 = arith.constant 2 : i32
      %mul3A_70 = arith.muli %mul3A_69, %scan3A_67 : i32
      %mul3A_71 = arith.constant 2 : i32
      %mul3A_72 = arith.muli %mul3A_71, %scan3A_67 : i32
      %add3A_73 = arith.constant 1 : i32
      %add3A_74 = arith.addi %mul3A_72, %add3A_73 : i32
      %dma_start3A_75 = arith.constant 0 : i32
      %dma_start3A_76 = arith.constant 0 : i32
      %dma_start3A_77 = arith.constant 0 : i32
      %dma_start3A_78 = tpu.memref_slice %arg7[%dma_start3A_76, %dma_start3A_77] : memref<200x64xf32, #tpu.memory_space<vmem>> -> memref<100x64xf32, #tpu.memory_space<vmem>>
      %dma_start3A_79 = arith.constant 0 : i32
      %dma_start3A_80 = arith.constant 0 : i32
      %dma_start3A_81 = tpu.memref_slice %arg5[%add3A_74, %dma_start3A_79, %dma_start3A_80] : memref<128x2x100xi32, #tpu.memory_space<vmem>> -> memref<1x2x100xi32, #tpu.memory_space<vmem>>
      %dma_start3A_82 = tpu.memref_squeeze %dma_start3A_81 : memref<1x2x100xi32, #tpu.memory_space<vmem>> -> memref<2x100xi32, #tpu.memory_space<vmem>>
      %dma_start3A_83 = arith.constant 0 : i32
      %dma_start3A_84 = tpu.memref_slice %dma_start3A_82[%dma_start3A_75, %dma_start3A_83] : memref<2x100xi32, #tpu.memory_space<vmem>> -> memref<1x100xi32, #tpu.memory_space<vmem>>
      %dma_start3A_85 = tpu.memref_squeeze %dma_start3A_84 : memref<1x100xi32, #tpu.memory_space<vmem>> -> memref<100xi32, #tpu.memory_space<vmem>>
      %dma_start3A_86 = arith.constant 0 : i32
      %dma_start3A_87 = arith.constant 0 : i32
      %dma_start3A_88 = tpu.memref_slice %arg3[%dma_start3A_86, %dma_start3A_87] : memref<1000000x64xf32, #tpu.memory_space<hbm>> -> memref<1000000x64xf32, #tpu.memory_space<hbm>>
      tpu.enqueue_indirect_dma source(%dma_start3A_88 : memref<1000000x64xf32, #tpu.memory_space<hbm>>) target(%dma_start3A_78 : memref<100x64xf32, #tpu.memory_space<vmem>>) offsets(%dma_start3A_85 : memref<100xi32, #tpu.memory_space<vmem>>) semaphore(%arg10 : memref<!tpu.dma_semaphore, #tpu.memory_space<semaphore_mem>>)
      %dma_start3A_89 = arith.constant 1 : i32
      %dma_start3A_90 = arith.constant 100 : i32
      %dma_start3A_91 = arith.constant 0 : i32
      %dma_start3A_92 = tpu.memref_slice %arg7[%dma_start3A_90, %dma_start3A_91] : memref<200x64xf32, #tpu.memory_space<vmem>> -> memref<100x64xf32, #tpu.memory_space<vmem>>
      %dma_start3A_93 = arith.constant 0 : i32
      %dma_start3A_94 = arith.constant 0 : i32
      %dma_start3A_95 = tpu.memref_slice %arg5[%add3A_74, %dma_start3A_93, %dma_start3A_94] : memref<128x2x100xi32, #tpu.memory_space<vmem>> -> memref<1x2x100xi32, #tpu.memory_space<vmem>>
      %dma_start3A_96 = tpu.memref_squeeze %dma_start3A_95 : memref<1x2x100xi32, #tpu.memory_space<vmem>> -> memref<2x100xi32, #tpu.memory_space<vmem>>
      %dma_start3A_97 = arith.constant 0 : i32
      %dma_start3A_98 = tpu.memref_slice %dma_start3A_96[%dma_start3A_89, %dma_start3A_97] : memref<2x100xi32, #tpu.memory_space<vmem>> -> memref<1x100xi32, #tpu.memory_space<vmem>>
      %dma_start3A_99 = tpu.memref_squeeze %dma_start3A_98 : memref<1x100xi32, #tpu.memory_space<vmem>> -> memref<100xi32, #tpu.memory_space<vmem>>
      %dma_start3A_100 = arith.constant 0 : i32
      %dma_start3A_101 = arith.constant 0 : i32
      %dma_start3A_102 = tpu.memref_slice %arg3[%dma_start3A_100, %dma_start3A_101] : memref<1000000x64xf32, #tpu.memory_space<hbm>> -> memref<1000000x64xf32, #tpu.memory_space<hbm>>
      tpu.enqueue_indirect_dma source(%dma_start3A_102 : memref<1000000x64xf32, #tpu.memory_space<hbm>>) target(%dma_start3A_92 : memref<100x64xf32, #tpu.memory_space<vmem>>) offsets(%dma_start3A_99 : memref<100xi32, #tpu.memory_space<vmem>>) semaphore(%arg10 : memref<!tpu.dma_semaphore, #tpu.memory_space<semaphore_mem>>)
      %dma_wait3A_103 = arith.constant 0 : i32
      %dma_wait3A_104 = arith.constant 0 : i32
      %dma_wait3A_105 = arith.constant 0 : i32
      %dma_wait3A_106 = arith.constant 0 : i32
      %dma_wait3A_107 = tpu.memref_slice %arg6[%dma_wait3A_105, %dma_wait3A_106] : memref<200x64xf32, #tpu.memory_space<vmem>> -> memref<100x64xf32, #tpu.memory_space<vmem>>
      %dma_wait3A_108 = arith.constant 0 : i32
      %dma_wait3A_109 = arith.constant 0 : i32
      %dma_wait3A_110 = tpu.memref_slice %arg5[%dma_wait3A_103, %dma_wait3A_108, %dma_wait3A_109] : memref<128x2x100xi32, #tpu.memory_space<vmem>> -> memref<1x2x100xi32, #tpu.memory_space<vmem>>
      %dma_wait3A_111 = tpu.memref_squeeze %dma_wait3A_110 : memref<1x2x100xi32, #tpu.memory_space<vmem>> -> memref<2x100xi32, #tpu.memory_space<vmem>>
      %dma_wait3A_112 = arith.constant 0 : i32
      %dma_wait3A_113 = tpu.memref_slice %dma_wait3A_111[%dma_wait3A_104, %dma_wait3A_112] : memref<2x100xi32, #tpu.memory_space<vmem>> -> memref<1x100xi32, #tpu.memory_space<vmem>>
      %dma_wait3A_114 = tpu.memref_squeeze %dma_wait3A_113 : memref<1x100xi32, #tpu.memory_space<vmem>> -> memref<100xi32, #tpu.memory_space<vmem>>
      %dma_wait3A_115 = arith.constant 0 : i32
      %dma_wait3A_116 = arith.constant 0 : i32
      %dma_wait3A_117 = tpu.memref_slice %arg3[%dma_wait3A_115, %dma_wait3A_116] : memref<1000000x64xf32, #tpu.memory_space<hbm>> -> memref<1000000x64xf32, #tpu.memory_space<hbm>>
      tpu.wait_indirect_dma semaphore(%arg9 : memref<!tpu.dma_semaphore, #tpu.memory_space<semaphore_mem>>) src(%dma_wait3A_117 : memref<1000000x64xf32, #tpu.memory_space<hbm>>) dst(%dma_wait3A_107 : memref<100x64xf32, #tpu.memory_space<vmem>>)
      %dma_wait3A_118 = arith.constant 0 : i32
      %dma_wait3A_119 = arith.constant 1 : i32
      %dma_wait3A_120 = arith.constant 100 : i32
      %dma_wait3A_121 = arith.constant 0 : i32
      %dma_wait3A_122 = tpu.memref_slice %arg6[%dma_wait3A_120, %dma_wait3A_121] : memref<200x64xf32, #tpu.memory_space<vmem>> -> memref<100x64xf32, #tpu.memory_space<vmem>>
      %dma_wait3A_123 = arith.constant 0 : i32
      %dma_wait3A_124 = arith.constant 0 : i32
      %dma_wait3A_125 = tpu.memref_slice %arg5[%dma_wait3A_118, %dma_wait3A_123, %dma_wait3A_124] : memref<128x2x100xi32, #tpu.memory_space<vmem>> -> memref<1x2x100xi32, #tpu.memory_space<vmem>>
      %dma_wait3A_126 = tpu.memref_squeeze %dma_wait3A_125 : memref<1x2x100xi32, #tpu.memory_space<vmem>> -> memref<2x100xi32, #tpu.memory_space<vmem>>
      %dma_wait3A_127 = arith.constant 0 : i32
      %dma_wait3A_128 = tpu.memref_slice %dma_wait3A_126[%dma_wait3A_119, %dma_wait3A_127] : memref<2x100xi32, #tpu.memory_space<vmem>> -> memref<1x100xi32, #tpu.memory_space<vmem>>
      %dma_wait3A_129 = tpu.memref_squeeze %dma_wait3A_128 : memref<1x100xi32, #tpu.memory_space<vmem>> -> memref<100xi32, #tpu.memory_space<vmem>>
      %dma_wait3A_130 = arith.constant 0 : i32
      %dma_wait3A_131 = arith.constant 0 : i32
      %dma_wait3A_132 = tpu.memref_slice %arg3[%dma_wait3A_130, %dma_wait3A_131] : memref<1000000x64xf32, #tpu.memory_space<hbm>> -> memref<1000000x64xf32, #tpu.memory_space<hbm>>
      tpu.wait_indirect_dma semaphore(%arg9 : memref<!tpu.dma_semaphore, #tpu.memory_space<semaphore_mem>>) src(%dma_wait3A_132 : memref<1000000x64xf32, #tpu.memory_space<hbm>>) dst(%dma_wait3A_122 : memref<100x64xf32, #tpu.memory_space<vmem>>)
      %broadcast_in_dim3A = arith.constant 0.000000e+00 : f32
      %broadcast_in_dim3A_133 = vector.broadcast %broadcast_in_dim3A : f32 to vector<16xf32>
      %broadcast_in_dim3A_134 = arith.constant 0.000000e+00 : f32
      %broadcast_in_dim3A_135 = vector.broadcast %broadcast_in_dim3A_134 : f32 to vector<16xf32>
      %broadcast_in_dim3A_136 = arith.constant 0.000000e+00 : f32
      %broadcast_in_dim3A_137 = vector.broadcast %broadcast_in_dim3A_136 : f32 to vector<16xf32>
      %broadcast_in_dim3A_138 = arith.constant 0.000000e+00 : f32
      %broadcast_in_dim3A_139 = vector.broadcast %broadcast_in_dim3A_138 : f32 to vector<16xf32>
      %scan3A_140 = arith.constant 0 : i32
      %scan3A_141 = arith.constant 25 : i32
      %scan3A_142 = arith.addi %scan3A_140, %scan3A_141 : i32
      %scan3A_143 = arith.constant 1 : i32
      %scan3A_144:4 = scf.for %scan3A_261 = %scan3A_140 to %scan3A_142 step %scan3A_143 iter_args(%scan3A_262 = %broadcast_in_dim3A_133, %scan3A_263 = %broadcast_in_dim3A_135, %scan3A_264 = %broadcast_in_dim3A_137, %scan3A_265 = %broadcast_in_dim3A_139) -> (vector<16xf32>, vector<16xf32>, vector<16xf32>, vector<16xf32>)  : i32 {
        %mul3A_266 = arith.constant 8 : i32
        %mul3A_267 = arith.muli %scan3A_261, %mul3A_266 : i32
        %add3A_268 = arith.constant 0 : i32
        %add3A_269 = arith.addi %mul3A_267, %add3A_268 : i32
        %get3A = arith.index_cast %add3A_269 : i32 to index
        %get3A_270 = arith.constant 0 : index
        %get3A_271 = tpu.vector_load %arg6[%get3A, %get3A_270] {strides = array<i32>} : memref<200x64xf32, #tpu.memory_space<vmem>>, vector<1x16xf32>,
        %get3A_272 = vector.shape_cast %get3A_271 : vector<1x16xf32> to vector<16xf32>
        %add3A_273 = arith.addf %scan3A_262, %get3A_272 : vector<16xf32>
        %mul3A_274 = arith.constant 8 : i32
        %mul3A_275 = arith.muli %scan3A_261, %mul3A_274 : i32
        %add3A_276 = arith.constant 0 : i32
        %add3A_277 = arith.addi %mul3A_275, %add3A_276 : i32
        %get3A_278 = arith.index_cast %add3A_277 : i32 to index
        %get3A_279 = arith.constant 16 : index
        %get3A_280 = tpu.vector_load %arg6[%get3A_278, %get3A_279] {strides = array<i32>} : memref<200x64xf32, #tpu.memory_space<vmem>>, vector<1x16xf32>,
        %get3A_281 = vector.shape_cast %get3A_280 : vector<1x16xf32> to vector<16xf32>
        %add3A_282 = arith.addf %scan3A_263, %get3A_281 : vector<16xf32>
        %mul3A_283 = arith.constant 8 : i32
        %mul3A_284 = arith.muli %scan3A_261, %mul3A_283 : i32
        %add3A_285 = arith.constant 0 : i32
        %add3A_286 = arith.addi %mul3A_284, %add3A_285 : i32
        %get3A_287 = arith.index_cast %add3A_286 : i32 to index
        %get3A_288 = arith.constant 32 : index
        %get3A_289 = tpu.vector_load %arg6[%get3A_287, %get3A_288] {strides = array<i32>} : memref<200x64xf32, #tpu.memory_space<vmem>>, vector<1x16xf32>,
        %get3A_290 = vector.shape_cast %get3A_289 : vector<1x16xf32> to vector<16xf32>
        %add3A_291 = arith.addf %scan3A_264, %get3A_290 : vector<16xf32>
        %mul3A_292 = arith.constant 8 : i32
        %mul3A_293 = arith.muli %scan3A_261, %mul3A_292 : i32
        %add3A_294 = arith.constant 0 : i32
        %add3A_295 = arith.addi %mul3A_293, %add3A_294 : i32
        %get3A_296 = arith.index_cast %add3A_295 : i32 to index
        %get3A_297 = arith.constant 48 : index
        %get3A_298 = tpu.vector_load %arg6[%get3A_296, %get3A_297] {strides = array<i32>} : memref<200x64xf32, #tpu.memory_space<vmem>>, vector<1x16xf32>,
        %get3A_299 = vector.shape_cast %get3A_298 : vector<1x16xf32> to vector<16xf32>
        %add3A_300 = arith.addf %scan3A_265, %get3A_299 : vector<16xf32>
        %mul3A_301 = arith.constant 8 : i32
        %mul3A_302 = arith.muli %scan3A_261, %mul3A_301 : i32
        %add3A_303 = arith.constant 1 : i32
        %add3A_304 = arith.addi %mul3A_302, %add3A_303 : i32
        %get3A_305 = arith.index_cast %add3A_304 : i32 to index
        %get3A_306 = arith.constant 0 : index
        %get3A_307 = tpu.vector_load %arg6[%get3A_305, %get3A_306] {strides = array<i32>} : memref<200x64xf32, #tpu.memory_space<vmem>>, vector<1x16xf32>,
        %get3A_308 = vector.shape_cast %get3A_307 : vector<1x16xf32> to vector<16xf32>
        %add3A_309 = arith.addf %add3A_273, %get3A_308 : vector<16xf32>
        %mul3A_310 = arith.constant 8 : i32
        %mul3A_311 = arith.muli %scan3A_261, %mul3A_310 : i32
        %add3A_312 = arith.constant 1 : i32
        %add3A_313 = arith.addi %mul3A_311, %add3A_312 : i32
        %get3A_314 = arith.index_cast %add3A_313 : i32 to index
        %get3A_315 = arith.constant 16 : index
        %get3A_316 = tpu.vector_load %arg6[%get3A_314, %get3A_315] {strides = array<i32>} : memref<200x64xf32, #tpu.memory_space<vmem>>, vector<1x16xf32>,
        %get3A_317 = vector.shape_cast %get3A_316 : vector<1x16xf32> to vector<16xf32>
        %add3A_318 = arith.addf %add3A_282, %get3A_317 : vector<16xf32>
        %mul3A_319 = arith.constant 8 : i32
        %mul3A_320 = arith.muli %scan3A_261, %mul3A_319 : i32
        %add3A_321 = arith.constant 1 : i32
        %add3A_322 = arith.addi %mul3A_320, %add3A_321 : i32
        %get3A_323 = arith.index_cast %add3A_322 : i32 to index
        %get3A_324 = arith.constant 32 : index
        %get3A_325 = tpu.vector_load %arg6[%get3A_323, %get3A_324] {strides = array<i32>} : memref<200x64xf32, #tpu.memory_space<vmem>>, vector<1x16xf32>,
        %get3A_326 = vector.shape_cast %get3A_325 : vector<1x16xf32> to vector<16xf32>
        %add3A_327 = arith.addf %add3A_291, %get3A_326 : vector<16xf32>
        %mul3A_328 = arith.constant 8 : i32
        %mul3A_329 = arith.muli %scan3A_261, %mul3A_328 : i32
        %add3A_330 = arith.constant 1 : i32
        %add3A_331 = arith.addi %mul3A_329, %add3A_330 : i32
        %get3A_332 = arith.index_cast %add3A_331 : i32 to index
        %get3A_333 = arith.constant 48 : index
        %get3A_334 = tpu.vector_load %arg6[%get3A_332, %get3A_333] {strides = array<i32>} : memref<200x64xf32, #tpu.memory_space<vmem>>, vector<1x16xf32>,
        %get3A_335 = vector.shape_cast %get3A_334 : vector<1x16xf32> to vector<16xf32>
        %add3A_336 = arith.addf %add3A_300, %get3A_335 : vector<16xf32>
        %mul3A_337 = arith.constant 8 : i32
        %mul3A_338 = arith.muli %scan3A_261, %mul3A_337 : i32
        %add3A_339 = arith.constant 2 : i32
        %add3A_340 = arith.addi %mul3A_338, %add3A_339 : i32
        %get3A_341 = arith.index_cast %add3A_340 : i32 to index
        %get3A_342 = arith.constant 0 : index
        %get3A_343 = tpu.vector_load %arg6[%get3A_341, %get3A_342] {strides = array<i32>} : memref<200x64xf32, #tpu.memory_space<vmem>>, vector<1x16xf32>,
        %get3A_344 = vector.shape_cast %get3A_343 : vector<1x16xf32> to vector<16xf32>
        %add3A_345 = arith.addf %add3A_309, %get3A_344 : vector<16xf32>
        %mul3A_346 = arith.constant 8 : i32
        %mul3A_347 = arith.muli %scan3A_261, %mul3A_346 : i32
        %add3A_348 = arith.constant 2 : i32
        %add3A_349 = arith.addi %mul3A_347, %add3A_348 : i32
        %get3A_350 = arith.index_cast %add3A_349 : i32 to index
        %get3A_351 = arith.constant 16 : index
        %get3A_352 = tpu.vector_load %arg6[%get3A_350, %get3A_351] {strides = array<i32>} : memref<200x64xf32, #tpu.memory_space<vmem>>, vector<1x16xf32>,
        %get3A_353 = vector.shape_cast %get3A_352 : vector<1x16xf32> to vector<16xf32>
        %add3A_354 = arith.addf %add3A_318, %get3A_353 : vector<16xf32>
        %mul3A_355 = arith.constant 8 : i32
        %mul3A_356 = arith.muli %scan3A_261, %mul3A_355 : i32
        %add3A_357 = arith.constant 2 : i32
        %add3A_358 = arith.addi %mul3A_356, %add3A_357 : i32
        %get3A_359 = arith.index_cast %add3A_358 : i32 to index
        %get3A_360 = arith.constant 32 : index
        %get3A_361 = tpu.vector_load %arg6[%get3A_359, %get3A_360] {strides = array<i32>} : memref<200x64xf32, #tpu.memory_space<vmem>>, vector<1x16xf32>,
        %get3A_362 = vector.shape_cast %get3A_361 : vector<1x16xf32> to vector<16xf32>
        %add3A_363 = arith.addf %add3A_327, %get3A_362 : vector<16xf32>
        %mul3A_364 = arith.constant 8 : i32
        %mul3A_365 = arith.muli %scan3A_261, %mul3A_364 : i32
        %add3A_366 = arith.constant 2 : i32
        %add3A_367 = arith.addi %mul3A_365, %add3A_366 : i32
        %get3A_368 = arith.index_cast %add3A_367 : i32 to index
        %get3A_369 = arith.constant 48 : index
        %get3A_370 = tpu.vector_load %arg6[%get3A_368, %get3A_369] {strides = array<i32>} : memref<200x64xf32, #tpu.memory_space<vmem>>, vector<1x16xf32>,
        %get3A_371 = vector.shape_cast %get3A_370 : vector<1x16xf32> to vector<16xf32>
        %add3A_372 = arith.addf %add3A_336, %get3A_371 : vector<16xf32>
        %mul3A_373 = arith.constant 8 : i32
        %mul3A_374 = arith.muli %scan3A_261, %mul3A_373 : i32
        %add3A_375 = arith.constant 3 : i32
        %add3A_376 = arith.addi %mul3A_374, %add3A_375 : i32
        %get3A_377 = arith.index_cast %add3A_376 : i32 to index
        %get3A_378 = arith.constant 0 : index
        %get3A_379 = tpu.vector_load %arg6[%get3A_377, %get3A_378] {strides = array<i32>} : memref<200x64xf32, #tpu.memory_space<vmem>>, vector<1x16xf32>,
        %get3A_380 = vector.shape_cast %get3A_379 : vector<1x16xf32> to vector<16xf32>
        %add3A_381 = arith.addf %add3A_345, %get3A_380 : vector<16xf32>
        %mul3A_382 = arith.constant 8 : i32
        %mul3A_383 = arith.muli %scan3A_261, %mul3A_382 : i32
        %add3A_384 = arith.constant 3 : i32
        %add3A_385 = arith.addi %mul3A_383, %add3A_384 : i32
        %get3A_386 = arith.index_cast %add3A_385 : i32 to index
        %get3A_387 = arith.constant 16 : index
        %get3A_388 = tpu.vector_load %arg6[%get3A_386, %get3A_387] {strides = array<i32>} : memref<200x64xf32, #tpu.memory_space<vmem>>, vector<1x16xf32>,
        %get3A_389 = vector.shape_cast %get3A_388 : vector<1x16xf32> to vector<16xf32>
        %add3A_390 = arith.addf %add3A_354, %get3A_389 : vector<16xf32>
        %mul3A_391 = arith.constant 8 : i32
        %mul3A_392 = arith.muli %scan3A_261, %mul3A_391 : i32
        %add3A_393 = arith.constant 3 : i32
        %add3A_394 = arith.addi %mul3A_392, %add3A_393 : i32
        %get3A_395 = arith.index_cast %add3A_394 : i32 to index
        %get3A_396 = arith.constant 32 : index
        %get3A_397 = tpu.vector_load %arg6[%get3A_395, %get3A_396] {strides = array<i32>} : memref<200x64xf32, #tpu.memory_space<vmem>>, vector<1x16xf32>,
        %get3A_398 = vector.shape_cast %get3A_397 : vector<1x16xf32> to vector<16xf32>
        %add3A_399 = arith.addf %add3A_363, %get3A_398 : vector<16xf32>
        %mul3A_400 = arith.constant 8 : i32
        %mul3A_401 = arith.muli %scan3A_261, %mul3A_400 : i32
        %add3A_402 = arith.constant 3 : i32
        %add3A_403 = arith.addi %mul3A_401, %add3A_402 : i32
        %get3A_404 = arith.index_cast %add3A_403 : i32 to index
        %get3A_405 = arith.constant 48 : index
        %get3A_406 = tpu.vector_load %arg6[%get3A_404, %get3A_405] {strides = array<i32>} : memref<200x64xf32, #tpu.memory_space<vmem>>, vector<1x16xf32>,
        %get3A_407 = vector.shape_cast %get3A_406 : vector<1x16xf32> to vector<16xf32>
        %add3A_408 = arith.addf %add3A_372, %get3A_407 : vector<16xf32>
        %mul3A_409 = arith.constant 8 : i32
        %mul3A_410 = arith.muli %scan3A_261, %mul3A_409 : i32
        %add3A_411 = arith.constant 4 : i32
        %add3A_412 = arith.addi %mul3A_410, %add3A_411 : i32
        %get3A_413 = arith.index_cast %add3A_412 : i32 to index
        %get3A_414 = arith.constant 0 : index
        %get3A_415 = tpu.vector_load %arg6[%get3A_413, %get3A_414] {strides = array<i32>} : memref<200x64xf32, #tpu.memory_space<vmem>>, vector<1x16xf32>,
        %get3A_416 = vector.shape_cast %get3A_415 : vector<1x16xf32> to vector<16xf32>
        %add3A_417 = arith.addf %add3A_381, %get3A_416 : vector<16xf32>
        %mul3A_418 = arith.constant 8 : i32
        %mul3A_419 = arith.muli %scan3A_261, %mul3A_418 : i32
        %add3A_420 = arith.constant 4 : i32
        %add3A_421 = arith.addi %mul3A_419, %add3A_420 : i32
        %get3A_422 = arith.index_cast %add3A_421 : i32 to index
        %get3A_423 = arith.constant 16 : index
        %get3A_424 = tpu.vector_load %arg6[%get3A_422, %get3A_423] {strides = array<i32>} : memref<200x64xf32, #tpu.memory_space<vmem>>, vector<1x16xf32>,
        %get3A_425 = vector.shape_cast %get3A_424 : vector<1x16xf32> to vector<16xf32>
        %add3A_426 = arith.addf %add3A_390, %get3A_425 : vector<16xf32>
        %mul3A_427 = arith.constant 8 : i32
        %mul3A_428 = arith.muli %scan3A_261, %mul3A_427 : i32
        %add3A_429 = arith.constant 4 : i32
        %add3A_430 = arith.addi %mul3A_428, %add3A_429 : i32
        %get3A_431 = arith.index_cast %add3A_430 : i32 to index
        %get3A_432 = arith.constant 32 : index
        %get3A_433 = tpu.vector_load %arg6[%get3A_431, %get3A_432] {strides = array<i32>} : memref<200x64xf32, #tpu.memory_space<vmem>>, vector<1x16xf32>,
        %get3A_434 = vector.shape_cast %get3A_433 : vector<1x16xf32> to vector<16xf32>
        %add3A_435 = arith.addf %add3A_399, %get3A_434 : vector<16xf32>
        %mul3A_436 = arith.constant 8 : i32
        %mul3A_437 = arith.muli %scan3A_261, %mul3A_436 : i32
        %add3A_438 = arith.constant 4 : i32
        %add3A_439 = arith.addi %mul3A_437, %add3A_438 : i32
        %get3A_440 = arith.index_cast %add3A_439 : i32 to index
        %get3A_441 = arith.constant 48 : index
        %get3A_442 = tpu.vector_load %arg6[%get3A_440, %get3A_441] {strides = array<i32>} : memref<200x64xf32, #tpu.memory_space<vmem>>, vector<1x16xf32>,
        %get3A_443 = vector.shape_cast %get3A_442 : vector<1x16xf32> to vector<16xf32>
        %add3A_444 = arith.addf %add3A_408, %get3A_443 : vector<16xf32>
        %mul3A_445 = arith.constant 8 : i32
        %mul3A_446 = arith.muli %scan3A_261, %mul3A_445 : i32
        %add3A_447 = arith.constant 5 : i32
        %add3A_448 = arith.addi %mul3A_446, %add3A_447 : i32
        %get3A_449 = arith.index_cast %add3A_448 : i32 to index
        %get3A_450 = arith.constant 0 : index
        %get3A_451 = tpu.vector_load %arg6[%get3A_449, %get3A_450] {strides = array<i32>} : memref<200x64xf32, #tpu.memory_space<vmem>>, vector<1x16xf32>,
        %get3A_452 = vector.shape_cast %get3A_451 : vector<1x16xf32> to vector<16xf32>
        %add3A_453 = arith.addf %add3A_417, %get3A_452 : vector<16xf32>
        %mul3A_454 = arith.constant 8 : i32
        %mul3A_455 = arith.muli %scan3A_261, %mul3A_454 : i32
        %add3A_456 = arith.constant 5 : i32
        %add3A_457 = arith.addi %mul3A_455, %add3A_456 : i32
        %get3A_458 = arith.index_cast %add3A_457 : i32 to index
        %get3A_459 = arith.constant 16 : index
        %get3A_460 = tpu.vector_load %arg6[%get3A_458, %get3A_459] {strides = array<i32>} : memref<200x64xf32, #tpu.memory_space<vmem>>, vector<1x16xf32>,
        %get3A_461 = vector.shape_cast %get3A_460 : vector<1x16xf32> to vector<16xf32>
        %add3A_462 = arith.addf %add3A_426, %get3A_461 : vector<16xf32>
        %mul3A_463 = arith.constant 8 : i32
        %mul3A_464 = arith.muli %scan3A_261, %mul3A_463 : i32
        %add3A_465 = arith.constant 5 : i32
        %add3A_466 = arith.addi %mul3A_464, %add3A_465 : i32
        %get3A_467 = arith.index_cast %add3A_466 : i32 to index
        %get3A_468 = arith.constant 32 : index
        %get3A_469 = tpu.vector_load %arg6[%get3A_467, %get3A_468] {strides = array<i32>} : memref<200x64xf32, #tpu.memory_space<vmem>>, vector<1x16xf32>,
        %get3A_470 = vector.shape_cast %get3A_469 : vector<1x16xf32> to vector<16xf32>
        %add3A_471 = arith.addf %add3A_435, %get3A_470 : vector<16xf32>
        %mul3A_472 = arith.constant 8 : i32
        %mul3A_473 = arith.muli %scan3A_261, %mul3A_472 : i32
        %add3A_474 = arith.constant 5 : i32
        %add3A_475 = arith.addi %mul3A_473, %add3A_474 : i32
        %get3A_476 = arith.index_cast %add3A_475 : i32 to index
        %get3A_477 = arith.constant 48 : index
        %get3A_478 = tpu.vector_load %arg6[%get3A_476, %get3A_477] {strides = array<i32>} : memref<200x64xf32, #tpu.memory_space<vmem>>, vector<1x16xf32>,
        %get3A_479 = vector.shape_cast %get3A_478 : vector<1x16xf32> to vector<16xf32>
        %add3A_480 = arith.addf %add3A_444, %get3A_479 : vector<16xf32>
        %mul3A_481 = arith.constant 8 : i32
        %mul3A_482 = arith.muli %scan3A_261, %mul3A_481 : i32
        %add3A_483 = arith.constant 6 : i32
        %add3A_484 = arith.addi %mul3A_482, %add3A_483 : i32
        %get3A_485 = arith.index_cast %add3A_484 : i32 to index
        %get3A_486 = arith.constant 0 : index
        %get3A_487 = tpu.vector_load %arg6[%get3A_485, %get3A_486] {strides = array<i32>} : memref<200x64xf32, #tpu.memory_space<vmem>>, vector<1x16xf32>,
        %get3A_488 = vector.shape_cast %get3A_487 : vector<1x16xf32> to vector<16xf32>
        %add3A_489 = arith.addf %add3A_453, %get3A_488 : vector<16xf32>
        %mul3A_490 = arith.constant 8 : i32
        %mul3A_491 = arith.muli %scan3A_261, %mul3A_490 : i32
        %add3A_492 = arith.constant 6 : i32
        %add3A_493 = arith.addi %mul3A_491, %add3A_492 : i32
        %get3A_494 = arith.index_cast %add3A_493 : i32 to index
        %get3A_495 = arith.constant 16 : index
        %get3A_496 = tpu.vector_load %arg6[%get3A_494, %get3A_495] {strides = array<i32>} : memref<200x64xf32, #tpu.memory_space<vmem>>, vector<1x16xf32>,
        %get3A_497 = vector.shape_cast %get3A_496 : vector<1x16xf32> to vector<16xf32>
        %add3A_498 = arith.addf %add3A_462, %get3A_497 : vector<16xf32>
        %mul3A_499 = arith.constant 8 : i32
        %mul3A_500 = arith.muli %scan3A_261, %mul3A_499 : i32
        %add3A_501 = arith.constant 6 : i32
        %add3A_502 = arith.addi %mul3A_500, %add3A_501 : i32
        %get3A_503 = arith.index_cast %add3A_502 : i32 to index
        %get3A_504 = arith.constant 32 : index
        %get3A_505 = tpu.vector_load %arg6[%get3A_503, %get3A_504] {strides = array<i32>} : memref<200x64xf32, #tpu.memory_space<vmem>>, vector<1x16xf32>,
        %get3A_506 = vector.shape_cast %get3A_505 : vector<1x16xf32> to vector<16xf32>
        %add3A_507 = arith.addf %add3A_471, %get3A_506 : vector<16xf32>
        %mul3A_508 = arith.constant 8 : i32
        %mul3A_509 = arith.muli %scan3A_261, %mul3A_508 : i32
        %add3A_510 = arith.constant 6 : i32
        %add3A_511 = arith.addi %mul3A_509, %add3A_510 : i32
        %get3A_512 = arith.index_cast %add3A_511 : i32 to index
        %get3A_513 = arith.constant 48 : index
        %get3A_514 = tpu.vector_load %arg6[%get3A_512, %get3A_513] {strides = array<i32>} : memref<200x64xf32, #tpu.memory_space<vmem>>, vector<1x16xf32>,
        %get3A_515 = vector.shape_cast %get3A_514 : vector<1x16xf32> to vector<16xf32>
        %add3A_516 = arith.addf %add3A_480, %get3A_515 : vector<16xf32>
        %mul3A_517 = arith.constant 8 : i32
        %mul3A_518 = arith.muli %scan3A_261, %mul3A_517 : i32
        %add3A_519 = arith.constant 7 : i32
        %add3A_520 = arith.addi %mul3A_518, %add3A_519 : i32
        %get3A_521 = arith.index_cast %add3A_520 : i32 to index
        %get3A_522 = arith.constant 0 : index
        %get3A_523 = tpu.vector_load %arg6[%get3A_521, %get3A_522] {strides = array<i32>} : memref<200x64xf32, #tpu.memory_space<vmem>>, vector<1x16xf32>,
        %get3A_524 = vector.shape_cast %get3A_523 : vector<1x16xf32> to vector<16xf32>
        %add3A_525 = arith.addf %add3A_489, %get3A_524 : vector<16xf32>
        %mul3A_526 = arith.constant 8 : i32
        %mul3A_527 = arith.muli %scan3A_261, %mul3A_526 : i32
        %add3A_528 = arith.constant 7 : i32
        %add3A_529 = arith.addi %mul3A_527, %add3A_528 : i32
        %get3A_530 = arith.index_cast %add3A_529 : i32 to index
        %get3A_531 = arith.constant 16 : index
        %get3A_532 = tpu.vector_load %arg6[%get3A_530, %get3A_531] {strides = array<i32>} : memref<200x64xf32, #tpu.memory_space<vmem>>, vector<1x16xf32>,
        %get3A_533 = vector.shape_cast %get3A_532 : vector<1x16xf32> to vector<16xf32>
        %add3A_534 = arith.addf %add3A_498, %get3A_533 : vector<16xf32>
        %mul3A_535 = arith.constant 8 : i32
        %mul3A_536 = arith.muli %scan3A_261, %mul3A_535 : i32
        %add3A_537 = arith.constant 7 : i32
        %add3A_538 = arith.addi %mul3A_536, %add3A_537 : i32
        %get3A_539 = arith.index_cast %add3A_538 : i32 to index
        %get3A_540 = arith.constant 32 : index
        %get3A_541 = tpu.vector_load %arg6[%get3A_539, %get3A_540] {strides = array<i32>} : memref<200x64xf32, #tpu.memory_space<vmem>>, vector<1x16xf32>,
        %get3A_542 = vector.shape_cast %get3A_541 : vector<1x16xf32> to vector<16xf32>
        %add3A_543 = arith.addf %add3A_507, %get3A_542 : vector<16xf32>
        %mul3A_544 = arith.constant 8 : i32
        %mul3A_545 = arith.muli %scan3A_261, %mul3A_544 : i32
        %add3A_546 = arith.constant 7 : i32
        %add3A_547 = arith.addi %mul3A_545, %add3A_546 : i32
        %get3A_548 = arith.index_cast %add3A_547 : i32 to index
        %get3A_549 = arith.constant 48 : index
        %get3A_550 = tpu.vector_load %arg6[%get3A_548, %get3A_549] {strides = array<i32>} : memref<200x64xf32, #tpu.memory_space<vmem>>, vector<1x16xf32>,
        %get3A_551 = vector.shape_cast %get3A_550 : vector<1x16xf32> to vector<16xf32>
        %add3A_552 = arith.addf %add3A_516, %get3A_551 : vector<16xf32>
        scf.yield %add3A_525, %add3A_534, %add3A_543, %add3A_552 : vector<16xf32>, vector<16xf32>, vector<16xf32>, vector<16xf32>
      }
      %scan3A_145 = arith.constant 25 : i32
      %swap3A = arith.index_cast %mul3A_70 : i32 to index
      %swap3A_146 = arith.constant 0 : index
      %swap3A_147 = tpu.vector_load %arg8[%swap3A, %swap3A_146] {strides = array<i32>} : memref<128x64xf32, #tpu.memory_space<vmem>>, vector<1x16xf32>,
      %swap3A_148 = vector.shape_cast %swap3A_147 : vector<1x16xf32> to vector<16xf32>
      %swap3A_149 = vector.shape_cast %scan3A_144#0 : vector<16xf32> to vector<1x16xf32>
      tpu.vector_store %arg8[%swap3A, %swap3A_146], %swap3A_149 {strides = array<i32>} : memref<128x64xf32, #tpu.memory_space<vmem>>, vector<1x16xf32>,
      %swap3A_150 = arith.index_cast %mul3A_70 : i32 to index
      %swap3A_151 = arith.constant 16 : index
      %swap3A_152 = tpu.vector_load %arg8[%swap3A_150, %swap3A_151] {strides = array<i32>} : memref<128x64xf32, #tpu.memory_space<vmem>>, vector<1x16xf32>,
      %swap3A_153 = vector.shape_cast %swap3A_152 : vector<1x16xf32> to vector<16xf32>
      %swap3A_154 = vector.shape_cast %scan3A_144#1 : vector<16xf32> to vector<1x16xf32>
      tpu.vector_store %arg8[%swap3A_150, %swap3A_151], %swap3A_154 {strides = array<i32>} : memref<128x64xf32, #tpu.memory_space<vmem>>, vector<1x16xf32>,
      %swap3A_155 = arith.index_cast %mul3A_70 : i32 to index
      %swap3A_156 = arith.constant 32 : index
      %swap3A_157 = tpu.vector_load %arg8[%swap3A_155, %swap3A_156] {strides = array<i32>} : memref<128x64xf32, #tpu.memory_space<vmem>>, vector<1x16xf32>,
      %swap3A_158 = vector.shape_cast %swap3A_157 : vector<1x16xf32> to vector<16xf32>
      %swap3A_159 = vector.shape_cast %scan3A_144#2 : vector<16xf32> to vector<1x16xf32>
      tpu.vector_store %arg8[%swap3A_155, %swap3A_156], %swap3A_159 {strides = array<i32>} : memref<128x64xf32, #tpu.memory_space<vmem>>, vector<1x16xf32>,
      %swap3A_160 = arith.index_cast %mul3A_70 : i32 to index
      %swap3A_161 = arith.constant 48 : index
      %swap3A_162 = tpu.vector_load %arg8[%swap3A_160, %swap3A_161] {strides = array<i32>} : memref<128x64xf32, #tpu.memory_space<vmem>>, vector<1x16xf32>,
      %swap3A_163 = vector.shape_cast %swap3A_162 : vector<1x16xf32> to vector<16xf32>
      %swap3A_164 = vector.shape_cast %scan3A_144#3 : vector<16xf32> to vector<1x16xf32>
      tpu.vector_store %arg8[%swap3A_160, %swap3A_161], %swap3A_164 {strides = array<i32>} : memref<128x64xf32, #tpu.memory_space<vmem>>, vector<1x16xf32>,
      %add3A_165 = arith.constant 2 : i32
      %add3A_166 = arith.addi %mul3A_70, %add3A_165 : i32
      %min3A = arith.constant 127 : i32
      %min3A_167 = arith.minsi %add3A_166, %min3A : i32
      %dma_start3A_168 = arith.constant 0 : i32
      %dma_start3A_169 = arith.constant 0 : i32
      %dma_start3A_170 = arith.constant 0 : i32
      %dma_start3A_171 = tpu.memref_slice %arg6[%dma_start3A_169, %dma_start3A_170] : memref<200x64xf32, #tpu.memory_space<vmem>> -> memref<100x64xf32, #tpu.memory_space<vmem>>
      %dma_start3A_172 = arith.constant 0 : i32
      %dma_start3A_173 = arith.constant 0 : i32
      %dma_start3A_174 = tpu.memref_slice %arg5[%min3A_167, %dma_start3A_172, %dma_start3A_173] : memref<128x2x100xi32, #tpu.memory_space<vmem>> -> memref<1x2x100xi32, #tpu.memory_space<vmem>>
      %dma_start3A_175 = tpu.memref_squeeze %dma_start3A_174 : memref<1x2x100xi32, #tpu.memory_space<vmem>> -> memref<2x100xi32, #tpu.memory_space<vmem>>
      %dma_start3A_176 = arith.constant 0 : i32
      %dma_start3A_177 = tpu.memref_slice %dma_start3A_175[%dma_start3A_168, %dma_start3A_176] : memref<2x100xi32, #tpu.memory_space<vmem>> -> memref<1x100xi32, #tpu.memory_space<vmem>>
      %dma_start3A_178 = tpu.memref_squeeze %dma_start3A_177 : memref<1x100xi32, #tpu.memory_space<vmem>> -> memref<100xi32, #tpu.memory_space<vmem>>
      %dma_start3A_179 = arith.constant 0 : i32
      %dma_start3A_180 = arith.constant 0 : i32
      %dma_start3A_181 = tpu.memref_slice %arg3[%dma_start3A_179, %dma_start3A_180] : memref<1000000x64xf32, #tpu.memory_space<hbm>> -> memref<1000000x64xf32, #tpu.memory_space<hbm>>
      tpu.enqueue_indirect_dma source(%dma_start3A_181 : memref<1000000x64xf32, #tpu.memory_space<hbm>>) target(%dma_start3A_171 : memref<100x64xf32, #tpu.memory_space<vmem>>) offsets(%dma_start3A_178 : memref<100xi32, #tpu.memory_space<vmem>>) semaphore(%arg9 : memref<!tpu.dma_semaphore, #tpu.memory_space<semaphore_mem>>)
      %dma_start3A_182 = arith.constant 1 : i32
      %dma_start3A_183 = arith.constant 100 : i32
      %dma_start3A_184 = arith.constant 0 : i32
      %dma_start3A_185 = tpu.memref_slice %arg6[%dma_start3A_183, %dma_start3A_184] : memref<200x64xf32, #tpu.memory_space<vmem>> -> memref<100x64xf32, #tpu.memory_space<vmem>>
      %dma_start3A_186 = arith.constant 0 : i32
      %dma_start3A_187 = arith.constant 0 : i32
      %dma_start3A_188 = tpu.memref_slice %arg5[%min3A_167, %dma_start3A_186, %dma_start3A_187] : memref<128x2x100xi32, #tpu.memory_space<vmem>> -> memref<1x2x100xi32, #tpu.memory_space<vmem>>
      %dma_start3A_189 = tpu.memref_squeeze %dma_start3A_188 : memref<1x2x100xi32, #tpu.memory_space<vmem>> -> memref<2x100xi32, #tpu.memory_space<vmem>>
      %dma_start3A_190 = arith.constant 0 : i32
      %dma_start3A_191 = tpu.memref_slice %dma_start3A_189[%dma_start3A_182, %dma_start3A_190] : memref<2x100xi32, #tpu.memory_space<vmem>> -> memref<1x100xi32, #tpu.memory_space<vmem>>
      %dma_start3A_192 = tpu.memref_squeeze %dma_start3A_191 : memref<1x100xi32, #tpu.memory_space<vmem>> -> memref<100xi32, #tpu.memory_space<vmem>>
      %dma_start3A_193 = arith.constant 0 : i32
      %dma_start3A_194 = arith.constant 0 : i32
      %dma_start3A_195 = tpu.memref_slice %arg3[%dma_start3A_193, %dma_start3A_194] : memref<1000000x64xf32, #tpu.memory_space<hbm>> -> memref<1000000x64xf32, #tpu.memory_space<hbm>>
      tpu.enqueue_indirect_dma source(%dma_start3A_195 : memref<1000000x64xf32, #tpu.memory_space<hbm>>) target(%dma_start3A_185 : memref<100x64xf32, #tpu.memory_space<vmem>>) offsets(%dma_start3A_192 : memref<100xi32, #tpu.memory_space<vmem>>) semaphore(%arg9 : memref<!tpu.dma_semaphore, #tpu.memory_space<semaphore_mem>>)
      %dma_wait3A_196 = arith.constant 0 : i32
      %dma_wait3A_197 = arith.constant 0 : i32
      %dma_wait3A_198 = arith.constant 0 : i32
      %dma_wait3A_199 = arith.constant 0 : i32
      %dma_wait3A_200 = tpu.memref_slice %arg7[%dma_wait3A_198, %dma_wait3A_199] : memref<200x64xf32, #tpu.memory_space<vmem>> -> memref<100x64xf32, #tpu.memory_space<vmem>>
      %dma_wait3A_201 = arith.constant 0 : i32
      %dma_wait3A_202 = arith.constant 0 : i32
      %dma_wait3A_203 = tpu.memref_slice %arg5[%dma_wait3A_196, %dma_wait3A_201, %dma_wait3A_202] : memref<128x2x100xi32, #tpu.memory_space<vmem>> -> memref<1x2x100xi32, #tpu.memory_space<vmem>>
      %dma_wait3A_204 = tpu.memref_squeeze %dma_wait3A_203 : memref<1x2x100xi32, #tpu.memory_space<vmem>> -> memref<2x100xi32, #tpu.memory_space<vmem>>
      %dma_wait3A_205 = arith.constant 0 : i32
      %dma_wait3A_206 = tpu.memref_slice %dma_wait3A_204[%dma_wait3A_197, %dma_wait3A_205] : memref<2x100xi32, #tpu.memory_space<vmem>> -> memref<1x100xi32, #tpu.memory_space<vmem>>
      %dma_wait3A_207 = tpu.memref_squeeze %dma_wait3A_206 : memref<1x100xi32, #tpu.memory_space<vmem>> -> memref<100xi32, #tpu.memory_space<vmem>>
      %dma_wait3A_208 = arith.constant 0 : i32
      %dma_wait3A_209 = arith.constant 0 : i32
      %dma_wait3A_210 = tpu.memref_slice %arg3[%dma_wait3A_208, %dma_wait3A_209] : memref<1000000x64xf32, #tpu.memory_space<hbm>> -> memref<1000000x64xf32, #tpu.memory_space<hbm>>
      tpu.wait_indirect_dma semaphore(%arg10 : memref<!tpu.dma_semaphore, #tpu.memory_space<semaphore_mem>>) src(%dma_wait3A_210 : memref<1000000x64xf32, #tpu.memory_space<hbm>>) dst(%dma_wait3A_200 : memref<100x64xf32, #tpu.memory_space<vmem>>)
      %dma_wait3A_211 = arith.constant 0 : i32
      %dma_wait3A_212 = arith.constant 1 : i32
      %dma_wait3A_213 = arith.constant 100 : i32
      %dma_wait3A_214 = arith.constant 0 : i32
      %dma_wait3A_215 = tpu.memref_slice %arg7[%dma_wait3A_213, %dma_wait3A_214] : memref<200x64xf32, #tpu.memory_space<vmem>> -> memref<100x64xf32, #tpu.memory_space<vmem>>
      %dma_wait3A_216 = arith.constant 0 : i32
      %dma_wait3A_217 = arith.constant 0 : i32
      %dma_wait3A_218 = tpu.memref_slice %arg5[%dma_wait3A_211, %dma_wait3A_216, %dma_wait3A_217] : memref<128x2x100xi32, #tpu.memory_space<vmem>> -> memref<1x2x100xi32, #tpu.memory_space<vmem>>
      %dma_wait3A_219 = tpu.memref_squeeze %dma_wait3A_218 : memref<1x2x100xi32, #tpu.memory_space<vmem>> -> memref<2x100xi32, #tpu.memory_space<vmem>>
      %dma_wait3A_220 = arith.constant 0 : i32
      %dma_wait3A_221 = tpu.memref_slice %dma_wait3A_219[%dma_wait3A_212, %dma_wait3A_220] : memref<2x100xi32, #tpu.memory_space<vmem>> -> memref<1x100xi32, #tpu.memory_space<vmem>>
      %dma_wait3A_222 = tpu.memref_squeeze %dma_wait3A_221 : memref<1x100xi32, #tpu.memory_space<vmem>> -> memref<100xi32, #tpu.memory_space<vmem>>
      %dma_wait3A_223 = arith.constant 0 : i32
      %dma_wait3A_224 = arith.constant 0 : i32
      %dma_wait3A_225 = tpu.memref_slice %arg3[%dma_wait3A_223, %dma_wait3A_224] : memref<1000000x64xf32, #tpu.memory_space<hbm>> -> memref<1000000x64xf32, #tpu.memory_space<hbm>>
      tpu.wait_indirect_dma semaphore(%arg10 : memref<!tpu.dma_semaphore, #tpu.memory_space<semaphore_mem>>) src(%dma_wait3A_225 : memref<1000000x64xf32, #tpu.memory_space<hbm>>) dst(%dma_wait3A_215 : memref<100x64xf32, #tpu.memory_space<vmem>>)
      %broadcast_in_dim3A_226 = arith.constant 0.000000e+00 : f32
      %broadcast_in_dim3A_227 = vector.broadcast %broadcast_in_dim3A_226 : f32 to vector<16xf32>
      %broadcast_in_dim3A_228 = arith.constant 0.000000e+00 : f32
      %broadcast_in_dim3A_229 = vector.broadcast %broadcast_in_dim3A_228 : f32 to vector<16xf32>
      %broadcast_in_dim3A_230 = arith.constant 0.000000e+00 : f32
      %broadcast_in_dim3A_231 = vector.broadcast %broadcast_in_dim3A_230 : f32 to vector<16xf32>
      %broadcast_in_dim3A_232 = arith.constant 0.000000e+00 : f32
      %broadcast_in_dim3A_233 = vector.broadcast %broadcast_in_dim3A_232 : f32 to vector<16xf32>
      %scan3A_234 = arith.constant 0 : i32
      %scan3A_235 = arith.constant 25 : i32
      %scan3A_236 = arith.addi %scan3A_234, %scan3A_235 : i32
      %scan3A_237 = arith.constant 1 : i32
      %scan3A_238:4 = scf.for %scan3A_261 = %scan3A_234 to %scan3A_236 step %scan3A_237 iter_args(%scan3A_262 = %broadcast_in_dim3A_227, %scan3A_263 = %broadcast_in_dim3A_229, %scan3A_264 = %broadcast_in_dim3A_231, %scan3A_265 = %broadcast_in_dim3A_233) -> (vector<16xf32>, vector<16xf32>, vector<16xf32>, vector<16xf32>)  : i32 {
        %mul3A_266 = arith.constant 8 : i32
        %mul3A_267 = arith.muli %scan3A_261, %mul3A_266 : i32
        %add3A_268 = arith.constant 0 : i32
        %add3A_269 = arith.addi %mul3A_267, %add3A_268 : i32
        %get3A = arith.index_cast %add3A_269 : i32 to index
        %get3A_270 = arith.constant 0 : index
        %get3A_271 = tpu.vector_load %arg7[%get3A, %get3A_270] {strides = array<i32>} : memref<200x64xf32, #tpu.memory_space<vmem>>, vector<1x16xf32>,
        %get3A_272 = vector.shape_cast %get3A_271 : vector<1x16xf32> to vector<16xf32>
        %add3A_273 = arith.addf %scan3A_262, %get3A_272 : vector<16xf32>
        %mul3A_274 = arith.constant 8 : i32
        %mul3A_275 = arith.muli %scan3A_261, %mul3A_274 : i32
        %add3A_276 = arith.constant 0 : i32
        %add3A_277 = arith.addi %mul3A_275, %add3A_276 : i32
        %get3A_278 = arith.index_cast %add3A_277 : i32 to index
        %get3A_279 = arith.constant 16 : index
        %get3A_280 = tpu.vector_load %arg7[%get3A_278, %get3A_279] {strides = array<i32>} : memref<200x64xf32, #tpu.memory_space<vmem>>, vector<1x16xf32>,
        %get3A_281 = vector.shape_cast %get3A_280 : vector<1x16xf32> to vector<16xf32>
        %add3A_282 = arith.addf %scan3A_263, %get3A_281 : vector<16xf32>
        %mul3A_283 = arith.constant 8 : i32
        %mul3A_284 = arith.muli %scan3A_261, %mul3A_283 : i32
        %add3A_285 = arith.constant 0 : i32
        %add3A_286 = arith.addi %mul3A_284, %add3A_285 : i32
        %get3A_287 = arith.index_cast %add3A_286 : i32 to index
        %get3A_288 = arith.constant 32 : index
        %get3A_289 = tpu.vector_load %arg7[%get3A_287, %get3A_288] {strides = array<i32>} : memref<200x64xf32, #tpu.memory_space<vmem>>, vector<1x16xf32>,
        %get3A_290 = vector.shape_cast %get3A_289 : vector<1x16xf32> to vector<16xf32>
        %add3A_291 = arith.addf %scan3A_264, %get3A_290 : vector<16xf32>
        %mul3A_292 = arith.constant 8 : i32
        %mul3A_293 = arith.muli %scan3A_261, %mul3A_292 : i32
        %add3A_294 = arith.constant 0 : i32
        %add3A_295 = arith.addi %mul3A_293, %add3A_294 : i32
        %get3A_296 = arith.index_cast %add3A_295 : i32 to index
        %get3A_297 = arith.constant 48 : index
        %get3A_298 = tpu.vector_load %arg7[%get3A_296, %get3A_297] {strides = array<i32>} : memref<200x64xf32, #tpu.memory_space<vmem>>, vector<1x16xf32>,
        %get3A_299 = vector.shape_cast %get3A_298 : vector<1x16xf32> to vector<16xf32>
        %add3A_300 = arith.addf %scan3A_265, %get3A_299 : vector<16xf32>
        %mul3A_301 = arith.constant 8 : i32
        %mul3A_302 = arith.muli %scan3A_261, %mul3A_301 : i32
        %add3A_303 = arith.constant 1 : i32
        %add3A_304 = arith.addi %mul3A_302, %add3A_303 : i32
        %get3A_305 = arith.index_cast %add3A_304 : i32 to index
        %get3A_306 = arith.constant 0 : index
        %get3A_307 = tpu.vector_load %arg7[%get3A_305, %get3A_306] {strides = array<i32>} : memref<200x64xf32, #tpu.memory_space<vmem>>, vector<1x16xf32>,
        %get3A_308 = vector.shape_cast %get3A_307 : vector<1x16xf32> to vector<16xf32>
        %add3A_309 = arith.addf %add3A_273, %get3A_308 : vector<16xf32>
        %mul3A_310 = arith.constant 8 : i32
        %mul3A_311 = arith.muli %scan3A_261, %mul3A_310 : i32
        %add3A_312 = arith.constant 1 : i32
        %add3A_313 = arith.addi %mul3A_311, %add3A_312 : i32
        %get3A_314 = arith.index_cast %add3A_313 : i32 to index
        %get3A_315 = arith.constant 16 : index
        %get3A_316 = tpu.vector_load %arg7[%get3A_314, %get3A_315] {strides = array<i32>} : memref<200x64xf32, #tpu.memory_space<vmem>>, vector<1x16xf32>,
        %get3A_317 = vector.shape_cast %get3A_316 : vector<1x16xf32> to vector<16xf32>
        %add3A_318 = arith.addf %add3A_282, %get3A_317 : vector<16xf32>
        %mul3A_319 = arith.constant 8 : i32
        %mul3A_320 = arith.muli %scan3A_261, %mul3A_319 : i32
        %add3A_321 = arith.constant 1 : i32
        %add3A_322 = arith.addi %mul3A_320, %add3A_321 : i32
        %get3A_323 = arith.index_cast %add3A_322 : i32 to index
        %get3A_324 = arith.constant 32 : index
        %get3A_325 = tpu.vector_load %arg7[%get3A_323, %get3A_324] {strides = array<i32>} : memref<200x64xf32, #tpu.memory_space<vmem>>, vector<1x16xf32>,
        %get3A_326 = vector.shape_cast %get3A_325 : vector<1x16xf32> to vector<16xf32>
        %add3A_327 = arith.addf %add3A_291, %get3A_326 : vector<16xf32>
        %mul3A_328 = arith.constant 8 : i32
        %mul3A_329 = arith.muli %scan3A_261, %mul3A_328 : i32
        %add3A_330 = arith.constant 1 : i32
        %add3A_331 = arith.addi %mul3A_329, %add3A_330 : i32
        %get3A_332 = arith.index_cast %add3A_331 : i32 to index
        %get3A_333 = arith.constant 48 : index
        %get3A_334 = tpu.vector_load %arg7[%get3A_332, %get3A_333] {strides = array<i32>} : memref<200x64xf32, #tpu.memory_space<vmem>>, vector<1x16xf32>,
        %get3A_335 = vector.shape_cast %get3A_334 : vector<1x16xf32> to vector<16xf32>
        %add3A_336 = arith.addf %add3A_300, %get3A_335 : vector<16xf32>
        %mul3A_337 = arith.constant 8 : i32
        %mul3A_338 = arith.muli %scan3A_261, %mul3A_337 : i32
        %add3A_339 = arith.constant 2 : i32
        %add3A_340 = arith.addi %mul3A_338, %add3A_339 : i32
        %get3A_341 = arith.index_cast %add3A_340 : i32 to index
        %get3A_342 = arith.constant 0 : index
        %get3A_343 = tpu.vector_load %arg7[%get3A_341, %get3A_342] {strides = array<i32>} : memref<200x64xf32, #tpu.memory_space<vmem>>, vector<1x16xf32>,
        %get3A_344 = vector.shape_cast %get3A_343 : vector<1x16xf32> to vector<16xf32>
        %add3A_345 = arith.addf %add3A_309, %get3A_344 : vector<16xf32>
        %mul3A_346 = arith.constant 8 : i32
        %mul3A_347 = arith.muli %scan3A_261, %mul3A_346 : i32
        %add3A_348 = arith.constant 2 : i32
        %add3A_349 = arith.addi %mul3A_347, %add3A_348 : i32
        %get3A_350 = arith.index_cast %add3A_349 : i32 to index
        %get3A_351 = arith.constant 16 : index
        %get3A_352 = tpu.vector_load %arg7[%get3A_350, %get3A_351] {strides = array<i32>} : memref<200x64xf32, #tpu.memory_space<vmem>>, vector<1x16xf32>,
        %get3A_353 = vector.shape_cast %get3A_352 : vector<1x16xf32> to vector<16xf32>
        %add3A_354 = arith.addf %add3A_318, %get3A_353 : vector<16xf32>
        %mul3A_355 = arith.constant 8 : i32
        %mul3A_356 = arith.muli %scan3A_261, %mul3A_355 : i32
        %add3A_357 = arith.constant 2 : i32
        %add3A_358 = arith.addi %mul3A_356, %add3A_357 : i32
        %get3A_359 = arith.index_cast %add3A_358 : i32 to index
        %get3A_360 = arith.constant 32 : index
        %get3A_361 = tpu.vector_load %arg7[%get3A_359, %get3A_360] {strides = array<i32>} : memref<200x64xf32, #tpu.memory_space<vmem>>, vector<1x16xf32>,
        %get3A_362 = vector.shape_cast %get3A_361 : vector<1x16xf32> to vector<16xf32>
        %add3A_363 = arith.addf %add3A_327, %get3A_362 : vector<16xf32>
        %mul3A_364 = arith.constant 8 : i32
        %mul3A_365 = arith.muli %scan3A_261, %mul3A_364 : i32
        %add3A_366 = arith.constant 2 : i32
        %add3A_367 = arith.addi %mul3A_365, %add3A_366 : i32
        %get3A_368 = arith.index_cast %add3A_367 : i32 to index
        %get3A_369 = arith.constant 48 : index
        %get3A_370 = tpu.vector_load %arg7[%get3A_368, %get3A_369] {strides = array<i32>} : memref<200x64xf32, #tpu.memory_space<vmem>>, vector<1x16xf32>,
        %get3A_371 = vector.shape_cast %get3A_370 : vector<1x16xf32> to vector<16xf32>
        %add3A_372 = arith.addf %add3A_336, %get3A_371 : vector<16xf32>
        %mul3A_373 = arith.constant 8 : i32
        %mul3A_374 = arith.muli %scan3A_261, %mul3A_373 : i32
        %add3A_375 = arith.constant 3 : i32
        %add3A_376 = arith.addi %mul3A_374, %add3A_375 : i32
        %get3A_377 = arith.index_cast %add3A_376 : i32 to index
        %get3A_378 = arith.constant 0 : index
        %get3A_379 = tpu.vector_load %arg7[%get3A_377, %get3A_378] {strides = array<i32>} : memref<200x64xf32, #tpu.memory_space<vmem>>, vector<1x16xf32>,
        %get3A_380 = vector.shape_cast %get3A_379 : vector<1x16xf32> to vector<16xf32>
        %add3A_381 = arith.addf %add3A_345, %get3A_380 : vector<16xf32>
        %mul3A_382 = arith.constant 8 : i32
        %mul3A_383 = arith.muli %scan3A_261, %mul3A_382 : i32
        %add3A_384 = arith.constant 3 : i32
        %add3A_385 = arith.addi %mul3A_383, %add3A_384 : i32
        %get3A_386 = arith.index_cast %add3A_385 : i32 to index
        %get3A_387 = arith.constant 16 : index
        %get3A_388 = tpu.vector_load %arg7[%get3A_386, %get3A_387] {strides = array<i32>} : memref<200x64xf32, #tpu.memory_space<vmem>>, vector<1x16xf32>,
        %get3A_389 = vector.shape_cast %get3A_388 : vector<1x16xf32> to vector<16xf32>
        %add3A_390 = arith.addf %add3A_354, %get3A_389 : vector<16xf32>
        %mul3A_391 = arith.constant 8 : i32
        %mul3A_392 = arith.muli %scan3A_261, %mul3A_391 : i32
        %add3A_393 = arith.constant 3 : i32
        %add3A_394 = arith.addi %mul3A_392, %add3A_393 : i32
        %get3A_395 = arith.index_cast %add3A_394 : i32 to index
        %get3A_396 = arith.constant 32 : index
        %get3A_397 = tpu.vector_load %arg7[%get3A_395, %get3A_396] {strides = array<i32>} : memref<200x64xf32, #tpu.memory_space<vmem>>, vector<1x16xf32>,
        %get3A_398 = vector.shape_cast %get3A_397 : vector<1x16xf32> to vector<16xf32>
        %add3A_399 = arith.addf %add3A_363, %get3A_398 : vector<16xf32>
        %mul3A_400 = arith.constant 8 : i32
        %mul3A_401 = arith.muli %scan3A_261, %mul3A_400 : i32
        %add3A_402 = arith.constant 3 : i32
        %add3A_403 = arith.addi %mul3A_401, %add3A_402 : i32
        %get3A_404 = arith.index_cast %add3A_403 : i32 to index
        %get3A_405 = arith.constant 48 : index
        %get3A_406 = tpu.vector_load %arg7[%get3A_404, %get3A_405] {strides = array<i32>} : memref<200x64xf32, #tpu.memory_space<vmem>>, vector<1x16xf32>,
        %get3A_407 = vector.shape_cast %get3A_406 : vector<1x16xf32> to vector<16xf32>
        %add3A_408 = arith.addf %add3A_372, %get3A_407 : vector<16xf32>
        %mul3A_409 = arith.constant 8 : i32
        %mul3A_410 = arith.muli %scan3A_261, %mul3A_409 : i32
        %add3A_411 = arith.constant 4 : i32
        %add3A_412 = arith.addi %mul3A_410, %add3A_411 : i32
        %get3A_413 = arith.index_cast %add3A_412 : i32 to index
        %get3A_414 = arith.constant 0 : index
        %get3A_415 = tpu.vector_load %arg7[%get3A_413, %get3A_414] {strides = array<i32>} : memref<200x64xf32, #tpu.memory_space<vmem>>, vector<1x16xf32>,
        %get3A_416 = vector.shape_cast %get3A_415 : vector<1x16xf32> to vector<16xf32>
        %add3A_417 = arith.addf %add3A_381, %get3A_416 : vector<16xf32>
        %mul3A_418 = arith.constant 8 : i32
        %mul3A_419 = arith.muli %scan3A_261, %mul3A_418 : i32
        %add3A_420 = arith.constant 4 : i32
        %add3A_421 = arith.addi %mul3A_419, %add3A_420 : i32
        %get3A_422 = arith.index_cast %add3A_421 : i32 to index
        %get3A_423 = arith.constant 16 : index
        %get3A_424 = tpu.vector_load %arg7[%get3A_422, %get3A_423] {strides = array<i32>} : memref<200x64xf32, #tpu.memory_space<vmem>>, vector<1x16xf32>,
        %get3A_425 = vector.shape_cast %get3A_424 : vector<1x16xf32> to vector<16xf32>
        %add3A_426 = arith.addf %add3A_390, %get3A_425 : vector<16xf32>
        %mul3A_427 = arith.constant 8 : i32
        %mul3A_428 = arith.muli %scan3A_261, %mul3A_427 : i32
        %add3A_429 = arith.constant 4 : i32
        %add3A_430 = arith.addi %mul3A_428, %add3A_429 : i32
        %get3A_431 = arith.index_cast %add3A_430 : i32 to index
        %get3A_432 = arith.constant 32 : index
        %get3A_433 = tpu.vector_load %arg7[%get3A_431, %get3A_432] {strides = array<i32>} : memref<200x64xf32, #tpu.memory_space<vmem>>, vector<1x16xf32>,
        %get3A_434 = vector.shape_cast %get3A_433 : vector<1x16xf32> to vector<16xf32>
        %add3A_435 = arith.addf %add3A_399, %get3A_434 : vector<16xf32>
        %mul3A_436 = arith.constant 8 : i32
        %mul3A_437 = arith.muli %scan3A_261, %mul3A_436 : i32
        %add3A_438 = arith.constant 4 : i32
        %add3A_439 = arith.addi %mul3A_437, %add3A_438 : i32
        %get3A_440 = arith.index_cast %add3A_439 : i32 to index
        %get3A_441 = arith.constant 48 : index
        %get3A_442 = tpu.vector_load %arg7[%get3A_440, %get3A_441] {strides = array<i32>} : memref<200x64xf32, #tpu.memory_space<vmem>>, vector<1x16xf32>,
        %get3A_443 = vector.shape_cast %get3A_442 : vector<1x16xf32> to vector<16xf32>
        %add3A_444 = arith.addf %add3A_408, %get3A_443 : vector<16xf32>
        %mul3A_445 = arith.constant 8 : i32
        %mul3A_446 = arith.muli %scan3A_261, %mul3A_445 : i32
        %add3A_447 = arith.constant 5 : i32
        %add3A_448 = arith.addi %mul3A_446, %add3A_447 : i32
        %get3A_449 = arith.index_cast %add3A_448 : i32 to index
        %get3A_450 = arith.constant 0 : index
        %get3A_451 = tpu.vector_load %arg7[%get3A_449, %get3A_450] {strides = array<i32>} : memref<200x64xf32, #tpu.memory_space<vmem>>, vector<1x16xf32>,
        %get3A_452 = vector.shape_cast %get3A_451 : vector<1x16xf32> to vector<16xf32>
        %add3A_453 = arith.addf %add3A_417, %get3A_452 : vector<16xf32>
        %mul3A_454 = arith.constant 8 : i32
        %mul3A_455 = arith.muli %scan3A_261, %mul3A_454 : i32
        %add3A_456 = arith.constant 5 : i32
        %add3A_457 = arith.addi %mul3A_455, %add3A_456 : i32
        %get3A_458 = arith.index_cast %add3A_457 : i32 to index
        %get3A_459 = arith.constant 16 : index
        %get3A_460 = tpu.vector_load %arg7[%get3A_458, %get3A_459] {strides = array<i32>} : memref<200x64xf32, #tpu.memory_space<vmem>>, vector<1x16xf32>,
        %get3A_461 = vector.shape_cast %get3A_460 : vector<1x16xf32> to vector<16xf32>
        %add3A_462 = arith.addf %add3A_426, %get3A_461 : vector<16xf32>
        %mul3A_463 = arith.constant 8 : i32
        %mul3A_464 = arith.muli %scan3A_261, %mul3A_463 : i32
        %add3A_465 = arith.constant 5 : i32
        %add3A_466 = arith.addi %mul3A_464, %add3A_465 : i32
        %get3A_467 = arith.index_cast %add3A_466 : i32 to index
        %get3A_468 = arith.constant 32 : index
        %get3A_469 = tpu.vector_load %arg7[%get3A_467, %get3A_468] {strides = array<i32>} : memref<200x64xf32, #tpu.memory_space<vmem>>, vector<1x16xf32>,
        %get3A_470 = vector.shape_cast %get3A_469 : vector<1x16xf32> to vector<16xf32>
        %add3A_471 = arith.addf %add3A_435, %get3A_470 : vector<16xf32>
        %mul3A_472 = arith.constant 8 : i32
        %mul3A_473 = arith.muli %scan3A_261, %mul3A_472 : i32
        %add3A_474 = arith.constant 5 : i32
        %add3A_475 = arith.addi %mul3A_473, %add3A_474 : i32
        %get3A_476 = arith.index_cast %add3A_475 : i32 to index
        %get3A_477 = arith.constant 48 : index
        %get3A_478 = tpu.vector_load %arg7[%get3A_476, %get3A_477] {strides = array<i32>} : memref<200x64xf32, #tpu.memory_space<vmem>>, vector<1x16xf32>,
        %get3A_479 = vector.shape_cast %get3A_478 : vector<1x16xf32> to vector<16xf32>
        %add3A_480 = arith.addf %add3A_444, %get3A_479 : vector<16xf32>
        %mul3A_481 = arith.constant 8 : i32
        %mul3A_482 = arith.muli %scan3A_261, %mul3A_481 : i32
        %add3A_483 = arith.constant 6 : i32
        %add3A_484 = arith.addi %mul3A_482, %add3A_483 : i32
        %get3A_485 = arith.index_cast %add3A_484 : i32 to index
        %get3A_486 = arith.constant 0 : index
        %get3A_487 = tpu.vector_load %arg7[%get3A_485, %get3A_486] {strides = array<i32>} : memref<200x64xf32, #tpu.memory_space<vmem>>, vector<1x16xf32>,
        %get3A_488 = vector.shape_cast %get3A_487 : vector<1x16xf32> to vector<16xf32>
        %add3A_489 = arith.addf %add3A_453, %get3A_488 : vector<16xf32>
        %mul3A_490 = arith.constant 8 : i32
        %mul3A_491 = arith.muli %scan3A_261, %mul3A_490 : i32
        %add3A_492 = arith.constant 6 : i32
        %add3A_493 = arith.addi %mul3A_491, %add3A_492 : i32
        %get3A_494 = arith.index_cast %add3A_493 : i32 to index
        %get3A_495 = arith.constant 16 : index
        %get3A_496 = tpu.vector_load %arg7[%get3A_494, %get3A_495] {strides = array<i32>} : memref<200x64xf32, #tpu.memory_space<vmem>>, vector<1x16xf32>,
        %get3A_497 = vector.shape_cast %get3A_496 : vector<1x16xf32> to vector<16xf32>
        %add3A_498 = arith.addf %add3A_462, %get3A_497 : vector<16xf32>
        %mul3A_499 = arith.constant 8 : i32
        %mul3A_500 = arith.muli %scan3A_261, %mul3A_499 : i32
        %add3A_501 = arith.constant 6 : i32
        %add3A_502 = arith.addi %mul3A_500, %add3A_501 : i32
        %get3A_503 = arith.index_cast %add3A_502 : i32 to index
        %get3A_504 = arith.constant 32 : index
        %get3A_505 = tpu.vector_load %arg7[%get3A_503, %get3A_504] {strides = array<i32>} : memref<200x64xf32, #tpu.memory_space<vmem>>, vector<1x16xf32>,
        %get3A_506 = vector.shape_cast %get3A_505 : vector<1x16xf32> to vector<16xf32>
        %add3A_507 = arith.addf %add3A_471, %get3A_506 : vector<16xf32>
        %mul3A_508 = arith.constant 8 : i32
        %mul3A_509 = arith.muli %scan3A_261, %mul3A_508 : i32
        %add3A_510 = arith.constant 6 : i32
        %add3A_511 = arith.addi %mul3A_509, %add3A_510 : i32
        %get3A_512 = arith.index_cast %add3A_511 : i32 to index
        %get3A_513 = arith.constant 48 : index
        %get3A_514 = tpu.vector_load %arg7[%get3A_512, %get3A_513] {strides = array<i32>} : memref<200x64xf32, #tpu.memory_space<vmem>>, vector<1x16xf32>,
        %get3A_515 = vector.shape_cast %get3A_514 : vector<1x16xf32> to vector<16xf32>
        %add3A_516 = arith.addf %add3A_480, %get3A_515 : vector<16xf32>
        %mul3A_517 = arith.constant 8 : i32
        %mul3A_518 = arith.muli %scan3A_261, %mul3A_517 : i32
        %add3A_519 = arith.constant 7 : i32
        %add3A_520 = arith.addi %mul3A_518, %add3A_519 : i32
        %get3A_521 = arith.index_cast %add3A_520 : i32 to index
        %get3A_522 = arith.constant 0 : index
        %get3A_523 = tpu.vector_load %arg7[%get3A_521, %get3A_522] {strides = array<i32>} : memref<200x64xf32, #tpu.memory_space<vmem>>, vector<1x16xf32>,
        %get3A_524 = vector.shape_cast %get3A_523 : vector<1x16xf32> to vector<16xf32>
        %add3A_525 = arith.addf %add3A_489, %get3A_524 : vector<16xf32>
        %mul3A_526 = arith.constant 8 : i32
        %mul3A_527 = arith.muli %scan3A_261, %mul3A_526 : i32
        %add3A_528 = arith.constant 7 : i32
        %add3A_529 = arith.addi %mul3A_527, %add3A_528 : i32
        %get3A_530 = arith.index_cast %add3A_529 : i32 to index
        %get3A_531 = arith.constant 16 : index
        %get3A_532 = tpu.vector_load %arg7[%get3A_530, %get3A_531] {strides = array<i32>} : memref<200x64xf32, #tpu.memory_space<vmem>>, vector<1x16xf32>,
        %get3A_533 = vector.shape_cast %get3A_532 : vector<1x16xf32> to vector<16xf32>
        %add3A_534 = arith.addf %add3A_498, %get3A_533 : vector<16xf32>
        %mul3A_535 = arith.constant 8 : i32
        %mul3A_536 = arith.muli %scan3A_261, %mul3A_535 : i32
        %add3A_537 = arith.constant 7 : i32
        %add3A_538 = arith.addi %mul3A_536, %add3A_537 : i32
        %get3A_539 = arith.index_cast %add3A_538 : i32 to index
        %get3A_540 = arith.constant 32 : index
        %get3A_541 = tpu.vector_load %arg7[%get3A_539, %get3A_540] {strides = array<i32>} : memref<200x64xf32, #tpu.memory_space<vmem>>, vector<1x16xf32>,
        %get3A_542 = vector.shape_cast %get3A_541 : vector<1x16xf32> to vector<16xf32>
        %add3A_543 = arith.addf %add3A_507, %get3A_542 : vector<16xf32>
        %mul3A_544 = arith.constant 8 : i32
        %mul3A_545 = arith.muli %scan3A_261, %mul3A_544 : i32
        %add3A_546 = arith.constant 7 : i32
        %add3A_547 = arith.addi %mul3A_545, %add3A_546 : i32
        %get3A_548 = arith.index_cast %add3A_547 : i32 to index
        %get3A_549 = arith.constant 48 : index
        %get3A_550 = tpu.vector_load %arg7[%get3A_548, %get3A_549] {strides = array<i32>} : memref<200x64xf32, #tpu.memory_space<vmem>>, vector<1x16xf32>,
        %get3A_551 = vector.shape_cast %get3A_550 : vector<1x16xf32> to vector<16xf32>
        %add3A_552 = arith.addf %add3A_516, %get3A_551 : vector<16xf32>
        scf.yield %add3A_525, %add3A_534, %add3A_543, %add3A_552 : vector<16xf32>, vector<16xf32>, vector<16xf32>, vector<16xf32>
      }
      %scan3A_239 = arith.constant 25 : i32
      %swap3A_240 = arith.index_cast %add3A_74 : i32 to index
      %swap3A_241 = arith.constant 0 : index
      %swap3A_242 = tpu.vector_load %arg8[%swap3A_240, %swap3A_241] {strides = array<i32>} : memref<128x64xf32, #tpu.memory_space<vmem>>, vector<1x16xf32>,
      %swap3A_243 = vector.shape_cast %swap3A_242 : vector<1x16xf32> to vector<16xf32>
      %swap3A_244 = vector.shape_cast %scan3A_238#0 : vector<16xf32> to vector<1x16xf32>
      tpu.vector_store %arg8[%swap3A_240, %swap3A_241], %swap3A_244 {strides = array<i32>} : memref<128x64xf32, #tpu.memory_space<vmem>>, vector<1x16xf32>,
      %swap3A_245 = arith.index_cast %add3A_74 : i32 to index
      %swap3A_246 = arith.constant 16 : index
      %swap3A_247 = tpu.vector_load %arg8[%swap3A_245, %swap3A_246] {strides = array<i32>} : memref<128x64xf32, #tpu.memory_space<vmem>>, vector<1x16xf32>,
      %swap3A_248 = vector.shape_cast %swap3A_247 : vector<1x16xf32> to vector<16xf32>
      %swap3A_249 = vector.shape_cast %scan3A_238#1 : vector<16xf32> to vector<1x16xf32>
      tpu.vector_store %arg8[%swap3A_245, %swap3A_246], %swap3A_249 {strides = array<i32>} : memref<128x64xf32, #tpu.memory_space<vmem>>, vector<1x16xf32>,
      %swap3A_250 = arith.index_cast %add3A_74 : i32 to index
      %swap3A_251 = arith.constant 32 : index
      %swap3A_252 = tpu.vector_load %arg8[%swap3A_250, %swap3A_251] {strides = array<i32>} : memref<128x64xf32, #tpu.memory_space<vmem>>, vector<1x16xf32>,
      %swap3A_253 = vector.shape_cast %swap3A_252 : vector<1x16xf32> to vector<16xf32>
      %swap3A_254 = vector.shape_cast %scan3A_238#2 : vector<16xf32> to vector<1x16xf32>
      tpu.vector_store %arg8[%swap3A_250, %swap3A_251], %swap3A_254 {strides = array<i32>} : memref<128x64xf32, #tpu.memory_space<vmem>>, vector<1x16xf32>,
      %swap3A_255 = arith.index_cast %add3A_74 : i32 to index
      %swap3A_256 = arith.constant 48 : index
      %swap3A_257 = tpu.vector_load %arg8[%swap3A_255, %swap3A_256] {strides = array<i32>} : memref<128x64xf32, #tpu.memory_space<vmem>>, vector<1x16xf32>,
      %swap3A_258 = vector.shape_cast %swap3A_257 : vector<1x16xf32> to vector<16xf32>
      %swap3A_259 = vector.shape_cast %scan3A_238#3 : vector<16xf32> to vector<1x16xf32>
      tpu.vector_store %arg8[%swap3A_255, %swap3A_256], %swap3A_259 {strides = array<i32>} : memref<128x64xf32, #tpu.memory_space<vmem>>, vector<1x16xf32>,
      %scan3A_260 = arith.constant 0 : i32
      scf.yield %scan3A_260 : i32
    }
    %scan3A_37 = arith.constant 64 : i32
    %dma_wait3A = arith.constant 0 : i32
    %dma_wait3A_38 = arith.constant 0 : i32
    %dma_wait3A_39 = arith.constant 0 : i32
    %dma_wait3A_40 = arith.constant 0 : i32
    %dma_wait3A_41 = tpu.memref_slice %arg6[%dma_wait3A_39, %dma_wait3A_40] : memref<200x64xf32, #tpu.memory_space<vmem>> -> memref<100x64xf32, #tpu.memory_space<vmem>>
    %dma_wait3A_42 = arith.constant 0 : i32
    %dma_wait3A_43 = arith.constant 0 : i32
    %dma_wait3A_44 = tpu.memref_slice %arg5[%dma_wait3A, %dma_wait3A_42, %dma_wait3A_43] : memref<128x2x100xi32, #tpu.memory_space<vmem>> -> memref<1x2x100xi32, #tpu.memory_space<vmem>>
    %dma_wait3A_45 = tpu.memref_squeeze %dma_wait3A_44 : memref<1x2x100xi32, #tpu.memory_space<vmem>> -> memref<2x100xi32, #tpu.memory_space<vmem>>
    %dma_wait3A_46 = arith.constant 0 : i32
    %dma_wait3A_47 = tpu.memref_slice %dma_wait3A_45[%dma_wait3A_38, %dma_wait3A_46] : memref<2x100xi32, #tpu.memory_space<vmem>> -> memref<1x100xi32, #tpu.memory_space<vmem>>
    %dma_wait3A_48 = tpu.memref_squeeze %dma_wait3A_47 : memref<1x100xi32, #tpu.memory_space<vmem>> -> memref<100xi32, #tpu.memory_space<vmem>>
    %dma_wait3A_49 = arith.constant 0 : i32
    %dma_wait3A_50 = arith.constant 0 : i32
    %dma_wait3A_51 = tpu.memref_slice %arg3[%dma_wait3A_49, %dma_wait3A_50] : memref<1000000x64xf32, #tpu.memory_space<hbm>> -> memref<1000000x64xf32, #tpu.memory_space<hbm>>
    tpu.wait_indirect_dma semaphore(%arg9 : memref<!tpu.dma_semaphore, #tpu.memory_space<semaphore_mem>>) src(%dma_wait3A_51 : memref<1000000x64xf32, #tpu.memory_space<hbm>>) dst(%dma_wait3A_41 : memref<100x64xf32, #tpu.memory_space<vmem>>)
    %dma_wait3A_52 = arith.constant 0 : i32
    %dma_wait3A_53 = arith.constant 1 : i32
    %dma_wait3A_54 = arith.constant 100 : i32
    %dma_wait3A_55 = arith.constant 0 : i32
    %dma_wait3A_56 = tpu.memref_slice %arg6[%dma_wait3A_54, %dma_wait3A_55] : memref<200x64xf32, #tpu.memory_space<vmem>> -> memref<100x64xf32, #tpu.memory_space<vmem>>
    %dma_wait3A_57 = arith.constant 0 : i32
    %dma_wait3A_58 = arith.constant 0 : i32
    %dma_wait3A_59 = tpu.memref_slice %arg5[%dma_wait3A_52, %dma_wait3A_57, %dma_wait3A_58] : memref<128x2x100xi32, #tpu.memory_space<vmem>> -> memref<1x2x100xi32, #tpu.memory_space<vmem>>
    %dma_wait3A_60 = tpu.memref_squeeze %dma_wait3A_59 : memref<1x2x100xi32, #tpu.memory_space<vmem>> -> memref<2x100xi32, #tpu.memory_space<vmem>>
    %dma_wait3A_61 = arith.constant 0 : i32
    %dma_wait3A_62 = tpu.memref_slice %dma_wait3A_60[%dma_wait3A_53, %dma_wait3A_61] : memref<2x100xi32, #tpu.memory_space<vmem>> -> memref<1x100xi32, #tpu.memory_space<vmem>>
    %dma_wait3A_63 = tpu.memref_squeeze %dma_wait3A_62 : memref<1x100xi32, #tpu.memory_space<vmem>> -> memref<100xi32, #tpu.memory_space<vmem>>
    %dma_wait3A_64 = arith.constant 0 : i32
    %dma_wait3A_65 = arith.constant 0 : i32
    %dma_wait3A_66 = tpu.memref_slice %arg3[%dma_wait3A_64, %dma_wait3A_65] : memref<1000000x64xf32, #tpu.memory_space<hbm>> -> memref<1000000x64xf32, #tpu.memory_space<hbm>>
    tpu.wait_indirect_dma semaphore(%arg9 : memref<!tpu.dma_semaphore, #tpu.memory_space<semaphore_mem>>) src(%dma_wait3A_66 : memref<1000000x64xf32, #tpu.memory_space<hbm>>) dst(%dma_wait3A_56 : memref<100x64xf32, #tpu.memory_space<vmem>>)
    "tpu.region"() ({
      %run_scoped3A = tpu.sem_alloc : memref<!tpu.dma_semaphore, #tpu.memory_space<semaphore_mem>>
      %dma_start3A_67 = arith.constant 0 : i32
      %dma_start3A_68 = tpu.memref_slice %arg4[%mul3A_2, %dma_start3A_67] : memref<4096x64xf32, #tpu.memory_space<hbm>> -> memref<128x64xf32, #tpu.memory_space<hbm>>
      %dma_start3A_69 = arith.constant 0 : i32
      %dma_start3A_70 = tpu.memref_slice %arg4[%mul3A_2, %dma_start3A_69] : memref<4096x64xf32, #tpu.memory_space<hbm>> -> memref<128x64xf32, #tpu.memory_space<hbm>>
      tpu.enqueue_dma source(%arg8 : memref<128x64xf32, #tpu.memory_space<vmem>>) target(%dma_start3A_70 : memref<128x64xf32, #tpu.memory_space<hbm>>) target_semaphore(%run_scoped3A : memref<!tpu.dma_semaphore, #tpu.memory_space<semaphore_mem>>)
      %dma_wait3A_71 = arith.constant 0 : i32
      %dma_wait3A_72 = tpu.memref_slice %arg4[%mul3A_2, %dma_wait3A_71] : memref<4096x64xf32, #tpu.memory_space<hbm>> -> memref<128x64xf32, #tpu.memory_space<hbm>>
      %dma_wait3A_73 = arith.constant 0 : i32
      %dma_wait3A_74 = tpu.memref_slice %arg4[%mul3A_2, %dma_wait3A_73] : memref<4096x64xf32, #tpu.memory_space<hbm>> -> memref<128x64xf32, #tpu.memory_space<hbm>>
      tpu.wait_dma2 semaphore(%run_scoped3A : memref<!tpu.dma_semaphore, #tpu.memory_space<semaphore_mem>>) src(%arg8 : memref<128x64xf32, #tpu.memory_space<vmem>>) dst(%dma_wait3A_74 : memref<128x64xf32, #tpu.memory_space<hbm>>)
      tpu.yield
    }) : () -> ()
    return
  }
}

module attributes {stable_mosaic.version = 14 : i64} {
  func.func @_mlp_body(%arg0: memref<4096x64xf32, #tpu.memory_space<vmem>>, %arg1: memref<64x64xf32, #tpu.memory_space<vmem>>, %arg2: memref<1x64xf32, #tpu.memory_space<vmem>>, %arg3: memref<64x1xf32, #tpu.memory_space<vmem>>, %arg4: memref<1x1xf32, #tpu.memory_space<vmem>>, %arg5: memref<4096x1xf32, #tpu.memory_space<vmem>>) attributes {dimension_semantics = [], scalar_prefetch = 0 : i64, scratch_operands = 0 : i64, tpu.core_type = #tpu.core_type<tc>} {
    %get3A = arith.constant 0 : index
    %get3A_0 = arith.constant 0 : index
    %get3A_1 = vector.load %arg0[%get3A, %get3A_0] : memref<4096x64xf32, #tpu.memory_space<vmem>>, vector<4096x64xf32>
    %mul3A = arith.constant 5.000000e-03 : f32
    %mul3A_2 = vector.broadcast %mul3A : f32 to vector<4096x64xf32>
    %mul3A_3 = arith.mulf %get3A_1, %mul3A_2 : vector<4096x64xf32>
    %get3A_4 = arith.constant 0 : index
    %get3A_5 = arith.constant 0 : index
    %get3A_6 = vector.load %arg1[%get3A_4, %get3A_5] : memref<64x64xf32, #tpu.memory_space<vmem>>, vector<64x64xf32>
    %dot_general3A = arith.constant dense<0.000000e+00> : vector<4096x64xf32>
    %dot_general3A_7 = tpu.matmul %mul3A_3, %get3A_6, %dot_general3A {dimension_numbers = #tpu.dot_dimension_numbers<[1], [0], [0], [1], [0, 0, 1, 1], [], []>, transpose_lhs_hint = false} : vector<4096x64xf32>, vector<64x64xf32>, vector<4096x64xf32> -> vector<4096x64xf32>
    %get3A_8 = arith.constant 0 : index
    %get3A_9 = arith.constant 0 : index
    %get3A_10 = vector.load %arg2[%get3A_8, %get3A_9] : memref<1x64xf32, #tpu.memory_space<vmem>>, vector<1x64xf32>
    %add3A = vector.broadcast %get3A_10 : vector<1x64xf32> to vector<4096x64xf32>
    %add3A_11 = arith.addf %dot_general3A_7, %add3A : vector<4096x64xf32>
    %tanh3A = math.tanh %add3A_11 : vector<4096x64xf32>
    %get3A_12 = arith.constant 0 : index
    %get3A_13 = arith.constant 0 : index
    %get3A_14 = vector.load %arg3[%get3A_12, %get3A_13] : memref<64x1xf32, #tpu.memory_space<vmem>>, vector<64x1xf32>
    %dot_general3A_15 = arith.constant dense<0.000000e+00> : vector<4096x1xf32>
    %dot_general3A_16 = tpu.matmul %tanh3A, %get3A_14, %dot_general3A_15 {dimension_numbers = #tpu.dot_dimension_numbers<[1], [0], [0], [1], [0, 0, 1, 1], [], []>, transpose_lhs_hint = false} : vector<4096x64xf32>, vector<64x1xf32>, vector<4096x1xf32> -> vector<4096x1xf32>
    %get3A_17 = arith.constant 0 : index
    %get3A_18 = arith.constant 0 : index
    %get3A_19 = vector.load %arg4[%get3A_17, %get3A_18] : memref<1x1xf32, #tpu.memory_space<vmem>>, vector<1x1xf32>
    %add3A_20 = vector.broadcast %get3A_19 : vector<1x1xf32> to vector<4096x1xf32>
    %add3A_21 = arith.addf %dot_general3A_16, %add3A_20 : vector<4096x1xf32>
    %swap3A = arith.constant 0 : index
    %swap3A_22 = arith.constant 0 : index
    %swap3A_23 = vector.load %arg5[%swap3A, %swap3A_22] : memref<4096x1xf32, #tpu.memory_space<vmem>>, vector<4096x1xf32>
    tpu.vector_store %arg5[%swap3A, %swap3A_22], %add3A_21 {strides = array<i32>} : memref<4096x1xf32, #tpu.memory_space<vmem>>, vector<4096x1xf32>,
    return
  }
}

</mosaic_0001>

<sc_bundles>
// kernel: kernel.4.cloned.1.call-start
scs
__scs_entry_jumppad:
0x0: {  	(pc) =	sbr.rel $0x88, $3  }
0x1: {  	(tag) =	ssettag $0x0;
	lr =	simm.s32 $0x1  }
0x2: {  	[smem:$0x3F9B] =	sst lr;
	_ =	strace $0xD0000000  }
0x3: {  	_ = 	snop  }
0x4: {  	_ = 	snop  }
0x5: {  	_ = 	snop  }
0x6: {  	_ = 	snop  }
0x7: {  	_ = 	snop  }
__scs_overlays_trampoline_lowered:
0x8: {  	[smem:$0x3FAA] =	sst s0  }
0x9: {  	[smem:$0x3FAB] =	sst s1  }
0xa: {  	[smem:$0x3FAC] =	sst s2  }
0xb: {  	[smem:$0x3FAD] =	sst s3  }
0xc: {  	[smem:$0x3FAE] =	sst s4  }
0xd: {  	[smem:$0x3FAF] =	sst s5  }
0xe: {  	[smem:$0x3FB0] =	sst s6  }
0xf: {  	[smem:$0x3FB1] =	sst s7  }
0x10: {  	[smem:$0x3FB2] =	sst s8  }
0x11: {  	[smem:$0x3FB3] =	sst s9;
	s0 =	simm.s32 @!p0 $0x0  }
0x12: {  	s1 =	sld [smem:$0x3F99];
	s0 =	simm.s32 @p0 $0x1  }
0x13: {  	[smem:$0x3FB4] =	sst s0;
	s0 =	simm.s32 @!p1 $0x0  }
0x14: {  	s2 =	sld [smem:$0x3F98];
	s0 =	simm.s32 @p1 $0x1  }
0x15: {  	[smem:$0x3FB5] =	sst s0;
	s0 =	simm.s32 @!p2 $0x0  }
0x16: {  	s3 =	sld [smem:$0x3FDB];
	s0 =	simm.s32 @p2 $0x1  }
0x17: {  	s4 =	simm.s32 $0x1BF5;
	[smem:$0x3FB7] =	sst s0  }
0x18: {  	s0 =	sld [smem:$0x3F9A];
	_ =	swait.ge [sflag:s4], $0x0  }
0x19: {  	s7 =	sld [smem:$0x3F9B]  }
0x1a: {  	s8 =	sadd.s32 $0xFFFFE003, lr  }
0x1b: {  	s9 =	sadd.s32 $0xFFFFFEF7, lr;
	s5 =	simm.s32 $0xFFFFFFFF;
	p2 =	slt.u32 s8, $0xFFFFF086  }
0x1c: {  	p1 =	slt.u32 s9, $0xF7A;
	s5 =	simm.s32 @!p2 $0x0  }
0x1d: {  	s5 =	simm.s32 @p1 $0x1;
	p0 =	seq.s32 s7, s2  }
0x1e: {  	s7 =	smul.u32 @!p0 $0xF7A, s2;
	p2 =	seq.s32 @!p0 s5, $0x0  }
0x1f: {  	s9 =	smul.u32 $0xF7A, s1;
	s8 =	simm.s32 @!p0 $0x1BF5;
	p2 =	por !p2, p0  }
0x20: {  	[sflag:s8] =	ssyncset.s32 @!p0 $0xFFFFF086;
	s6 =	sadd.s32 @!p0 s3, s7;
	s7 =	simm.s32 @!p0 $0x108  }
0x21: {  	s3 =	sadd.s32 s3, s9;
	s6 =	sadd.s32 @!p0 $0x88, s6;
	s7 =	simm.s32 @p2 $0x1082  }
0x22: {  	[simem:s7], [sflag:s8] =	dma.local @!p0 [hbm:s6], $0xF7A  }
0x23: {  	s9 =	sor.u32 $0xD0000000, s2;
	s6 =	simm.s32 $0x108;
	_ =	swait.ge @!p0 [sflag:s8], $0x0  }
0x24: {  	s3 =	sadd.s32 $0x88, s3;
	s6 =	simm.s32 @!p1 $0x1082;
	[sflag:s4] =	ssyncset.s32 $0xFFFFF086  }
0x25: {  	[simem:s6], [sflag:s4] =	dma.local [hbm:s3], $0xF7A  }
0x26: {  	[smem:$0x3F9B] =	sst s1;
	(tag) =	ssettag s2;
	_ =	strace s9  }
0x27: {  	s1 =	sld [smem:$0x3FAB]  }
0x28: {  	s2 =	sld [smem:$0x3FAC]  }
0x29: {  	s4 =	sld [smem:$0x3FAE]  }
0x2a: {  	p0 =	seq.s32 s5, $0x0;
	s5 =	sld [smem:$0x3FAF]  }
0x2b: {  	s6 =	sld [smem:$0x3FB0]  }
0x2c: {  	s7 =	sld [smem:$0x3FB1]  }
0x2d: {  	s3 =	simm.s32 $0x108;
	s8 =	sld [smem:$0x3FB2]  }
0x2e: {  	s3 =	simm.s32 @!p0 $0x1082;
	s9 =	sld [smem:$0x3FB3]  }
0x2f: {  	lr =	sadd.s32 s0, s3;
	s0 =	sld [smem:$0x3FAA]  }
0x30: {  	s3 =	sld [smem:$0x3FAD]  }
0x31: {  	[smem:$0x3FB6] =	sst s10  }
0x32: {  	s10 =	sld [smem:$0x3FB4];
	_ =	sdelay $0x3  }
0x33: {  	p0 =	seq.s32 s10, $0x1;
	s10 =	sld [smem:$0x3FB6];
	_ =	sdelay $0x3  }
0x34: {  	[smem:$0x3FB6] =	sst s10  }
0x35: {  	s10 =	sld [smem:$0x3FB5];
	_ =	sdelay $0x3  }
0x36: {  	p1 =	seq.s32 s10, $0x1;
	s10 =	sld [smem:$0x3FB6];
	_ =	sdelay $0x3  }
0x37: {  	[smem:$0x3FB6] =	sst s10  }
0x38: {  	s10 =	sld [smem:$0x3FB7]  }
0x39: {  	_ = 	snop;
	(pc) =	sbr.ind lr, $3  }
0x3a: {  	_ = 	snop  }
0x3b: {  	_ = 	snop  }
0x3c: {  	p2 =	seq.s32 s10, $0x1;
	s10 =	sld [smem:$0x3FB6]  }
0x3d: {  	_ =	shalt  }
0x3e: {  	_ =	shalt  }
0x3f: {  	_ =	shalt  }
0x40: {  	_ =	shalt  }
0x41: {  	_ =	shalt  }
0x42: {  	_ =	shalt  }
0x43: {  	_ =	shalt  }
0x44: {  	_ =	shalt  }
0x45: {  	_ =	shalt  }
0x46: {  	_ =	shalt  }
0x47: {  	_ =	shalt  }
0x48: {  	_ =	shalt  }
0x49: {  	_ =	shalt  }
0x4a: {  	_ =	shalt  }
0x4b: {  	_ =	shalt  }
0x4c: {  	_ =	shalt  }
0x4d: {  	_ =	shalt  }
0x4e: {  	_ =	shalt  }
0x4f: {  	_ =	shalt  }
0x50: {  	_ =	shalt  }
0x51: {  	_ =	shalt  }
0x52: {  	_ =	shalt  }
0x53: {  	_ =	shalt  }
0x54: {  	_ =	shalt  }
0x55: {  	_ =	shalt  }
0x56: {  	_ =	shalt  }
0x57: {  	_ =	shalt  }
0x58: {  	_ =	shalt  }
0x59: {  	_ =	shalt  }
0x5a: {  	_ =	shalt  }
0x5b: {  	_ =	shalt  }
0x5c: {  	_ =	shalt  }
0x5d: {  	_ =	shalt  }
0x5e: {  	_ =	shalt  }
0x5f: {  	_ =	shalt  }
0x60: {  	_ =	shalt  }
0x61: {  	_ =	shalt  }
0x62: {  	_ =	shalt  }
0x63: {  	_ =	shalt  }
0x64: {  	_ =	shalt  }
0x65: {  	_ =	shalt  }
0x66: {  	_ =	shalt  }
0x67: {  	_ =	shalt  }
0x68: {  	_ =	shalt  }
0x69: {  	_ =	shalt  }
0x6a: {  	_ =	shalt  }
0x6b: {  	_ =	shalt  }
0x6c: {  	_ =	shalt  }
0x6d: {  	_ =	shalt  }
0x6e: {  	_ =	shalt  }
0x6f: {  	_ =	shalt  }
0x70: {  	_ =	shalt  }
0x71: {  	_ =	shalt  }
0x72: {  	_ =	shalt  }
0x73: {  	_ =	shalt  }
0x74: {  	_ =	shalt  }
0x75: {  	_ =	shalt  }
0x76: {  	_ =	shalt  }
0x77: {  	_ =	shalt  }
0x78: {  	_ =	shalt  }
0x79: {  	_ =	shalt  }
0x7a: {  	_ =	shalt  }
0x7b: {  	_ =	shalt  }
0x7c: {  	_ =	shalt  }
0x7d: {  	_ =	shalt  }
0x7e: {  	_ =	shalt  }
0x7f: {  	_ =	shalt  }
0x80: {  	_ =	shalt  }
0x81: {  	_ =	shalt  }
0x82: {  	_ =	shalt  }
0x83: {  	_ =	shalt  }
0x84: {  	_ =	shalt  }
0x85: {  	_ =	shalt  }
0x86: {  	_ =	shalt  }
0x87: {  	_ =	shalt  }
.Lfunc_end0:
.L_simem_size_0:
called_computation_lowered:
.L_overlay_start_0:
0x88: {  	s2 =	sld [smem:$0x3FD9]  }
0x89: {  	s3 =	sld [smem:$0x3FFE];
	_ =	sdelay $0x1  }
0x8a: {  	s1 =	srdreg.scid  }
0x8b: {  	s0 =	sand.u32 $0x1, s1  }
0x8c: {  	s16 =	sshll.u32 s0, $0xA;
	s2 =	sadd.s32 s3, s2  }
0x8d: {  	s2 =	sadd.s32 s2, s16  }
0x8e: {  	[smem:$0x3FC2] =	sst s2  }
0x8f: {  	_ = 	snop  }
0x90: {  	(tm) =	ssettm $0x1  }
0x91: {  	s17 =	sld [smem:$0x3FFB];
	_ =	sdelay $0x3  }
0x92: {  	_ =	strace s17  }
0x93: {  	s2 =	sld [smem:$0x3FFC];
	_ =	sdelay $0x3  }
0x94: {  	_ =	strace s2  }
0x95: {  	s2 =	sld [smem:$0x3FFD];
	_ =	sdelay $0x3  }
0x96: {  	_ =	strace s2  }
0x97: {  	_ =	strace $0x8FFFFFFF  }
0x98: {  	s18 =	sld [smem:$0x3FDB];
	_ =	sdelay $0x1  }
0x99: {  	s19 =	simm.s32 $_scs_section_size  }
0x9a: {  	s4 =	simm.s32 $_size__tile_overlayer_lowered;
	s5 =	simm.s32 $_tile_overlayer_lowered  }
0x9b: {  	s22 =	simm.s32 $0x1BFF;
	s21 =	sshll.u32 s5, $0x1;
	s2 =	sadd.s32 s19, s18  }
0x9c: {  	s6 =	simm.s32 $0x0;
	s20 =	sshll.u32 s4, $0x1;
	s4 =	sadd.s32 s21, s2  }
0x9d: {  	[timem:s6], [sflag:s22] =	dma.local [hbm:s4], s20  }
0x9e: {  	_ =	swait.ge [sflag:s22], s20  }
0x9f: {  	s3 =	ssub.s32 $0x0, s20;
	[sflag:s22] =	ssyncset.done $0x0  }
0xa0: {  	[sflag:s22] =	ssyncadd.s32 s3;
	_ =	sdelay $0x1  }
0xa1: {  	s23 =	simm.s32 $0x1B8B  }
0xa2: {  	_ =	swait.ge [sflag:s23], $0x1  }
0xa3: {  	[sflag:s23] =	ssyncset.done $0x0  }
0xa4: {  	s25 =	simm.s32 $0x1B8E;
	s24 =	sld [smem:$0x3FFE];
	[sflag:s23] =	ssyncadd.s32 $0xFFFFFFFF  }
0xa5: {  	s26 =	simm.s32 $execute0_lowered;
	[smem:$0x3FD2] =	sst s25  }
0xa6: {  	s4 =	sshll.u32 s26, $0x1;
	_ =	strace $0x80000046;
	[dreg:$0x1] =	wrdreg $0xFFFFFFFF  }
0xa7: {  	s28 =	simm.s32 $_size_execute0_lowered;
	s2 =	sadd.s32 s2, s4;
	[dreg:$0x0] =	wrdreg $0x0  }
0xa8: {  	s4 =	sshll.u32 s28, $0x1;
	[dreg:$0x2] =	wrdreg s2  }
0xa9: {  	[dreg:$0x3] =	wrdreg s4  }
0xaa: {  	[dreg:$0x4] =	wrdreg $0xC0  }
0xab: {  	_ =	task [dreg:s6], $0x5FFFF  }
0xac: {  	[dreg:$0x1] =	wrdreg $0xFFFFFFFF  }
0xad: {  	[dreg:$0x0] =	wrdreg $0x60  }
0xae: {  	[dreg:$0x2] =	wrdreg s24  }
0xaf: {  	[dreg:$0x3] =	wrdreg $0x9  }
0xb0: {  	_ =	task.clear_ibuf [dreg:s6], $0x4FFFF;
	_ =	strace $0x90000046  }
0xb1: {  	s29 =	simm.s32 $0x9;
	_ =	strace $0x80000048  }
0xb2: {  	_ =	swait.ge [sflag:s29], $0x1  }
0xb3: {  	[sflag:s29] =	ssyncadd.s32 $0xFFFFFFFF  }
0xb4: {  	_ =	strace $0x90000048  }
0xb5: {  	_ =	sfence  }
0xb6: {  	s30 =	sld [smem:$0x0];
	_ =	sdelay $0x2  }
0xb7: {  	s31 =	sshll.u32 s1, $0xD;
	s1 =	sshrl.u32 s1, $0x2  }
0xb8: {  	s3 =	sand.u32 $0x4000, s31;
	s1 =	sadd.s32 s1, s30  }
0xb9: {  	s0 =	sor.u32 s3, s0;
	s1 =	sshll.u32 s1, $0x11  }
0xba: {  	s0 =	sor.u32 s1, s0  }
0xbb: {  	s0 =	sadd.s32 $0x8F2B, s0  }
0xbc: {  	[sflag:s0] =	ssyncadd.remote.s32 $0x1  }
0xbd: {  	_ =	sfence.sel $0xFFFF  }
0xbe: {  	[dreg:$0x0] =	wrdreg $0xFFFFFFFF;
	(pc) =	sbr.abs _section_cstart, $3  }
0xbf: {  	[dreg:$0x1] =	wrdreg $0xFFFFFFFF  }
0xc0: {  	_ =	task.clear_ibuf [dreg:s6], $0x2FFFF;
	_ =	strace $0x9FFFFFFF  }
0xc1: {  	(tm) =	ssettm $0x7FFFFFFF  }
tec
execute0_lowered:
.L_overlay_start_1:
0x0: {  	(tag) =	ssettag $0x1  }
0x1: {  	s1 =	srdreg.scid  }
0x2: {  	s0 =	stileid.u32;
	s4 =	rddreg [dreg:$0x0]  }
0x3: {  	s2 =	simm.s32 $0x0;
	s8 =	simm.s32 $0x64;
	s9 =	simm.s32 $0x6800  }
0x4: {  	s10 =	simm.s32 $0x68;
	s11 =	simm.s32 $0x8100;
	s12 =	simm.s32 $0x9A00  }
0x5: {  	s13 =	simm.s32 $0xB300;
	s14 =	simm.s32 $0x1;
	s15 =	simm.s32 $0x2  }
0x6: {  	s16 =	simm.s32 $0xCC00;
	s17 =	simm.s32 $0x0;
	s3 =	sand.u32 $0x1, s1  }
0x7: {  	s5 =	sshll.u32 s0, $0x8;
	[smem:$0x7FF] =	sst s2;
	s6 =	sshll.u32 s3, $0x7  }
0x8: {  	s1 =	rddreg [dreg:$0x1];
	_ =	strace $0x80000047;
	s5 =	sor.u32 s6, s5  }
0x9: {  	s7 =	ssub.s32 $0x2, s3;
	s6 =	smul.u32 $0x1A, s5;
	s5 =	sshll.u32 s5, $0x3  }
0xa: {  	s3 =	sadd.s32 $0xF42C00, s4;
	s31 =	sshrl.u32 s7, $0x1;
	s5 =	sadd.s32 s5, s4  }
0xb: {  	s7 =	ssub.s32 s7, s31;
	s6 =	sadd.s32 s6, s4;
	s5 =	sadd.s32 $0x1A800, s5  }
0xc: {  	s4 =	sadd.s32 $0x800, s6;
	s6 =	smax.u32 s7, $0x1;
	s7 =	simm.s32 $0x3  }
.LBB2_1:
0xd: {  	[tilespmem:s2], [sflag:$0x3] =	stream.linear.gather [hbm4b:s4+s2], $0x6800, $0x38;
	[tilespmem:$0xEC00] =	vst v63  }
0xe: {  	_ =	swait.ge [sflag:s7], $0x6800  }
0xf: {  	[sflag:s7] =	ssyncset.done $0x0  }
0x10: {  	[sflag:s7] =	ssyncadd.s32 $0xFFFF9800  }
0x11: {  	[tilespmem:s9], [sflag:$0x1] =	stream.indirect.gather [hbm4b:s3+s8], $0x40, s2, s8, $0xb8;
	[tilespmem:$0xEC00] =	vst v63  }
0x12: {  	s18 =	simm.s32 $0x0  }
0x13: {  	[tilespmem:s11], [sflag:$0x1] =	stream.indirect.gather [hbm4b:s3+s8], $0x40, s10, s8, $0xb8;
	[tilespmem:$0xEC00] =	vst v63  }
.LBB2_2:
0x14: {  	s19 =	sshllo.u32 s18, $0x1  }
0x15: {  	s20 =	smul.u32 $0x340, s19;
	_ =	sdelay $0x1  }
0x16: {  	s20 =	sshra.s32 s20, $0x2  }
0x17: {  	[tilespmem:s12], [sflag:$0x2] =	stream.indirect.gather [hbm4b:s3+s8], $0x40, s20, s8, $0xb8;
	[tilespmem:$0xEC00] =	vst v63  }
0x18: {  	s20 =	sadd.s32 $0x68, s20  }
0x19: {  	[tilespmem:s13], [sflag:$0x2] =	stream.indirect.gather [hbm4b:s3+s8], $0x40, s20, s8, $0xb8;
	[tilespmem:$0xEC00] =	vst v63  }
0x1a: {  	_ =	swait.ge [sflag:s14], $0x1900  }
0x1b: {  	[sflag:s14] =	ssyncset.done $0x0  }
0x1c: {  	[sflag:s14] =	ssyncadd.s32 $0xFFFFE700  }
0x1d: {  	_ =	swait.ge [sflag:s14], $0x1900  }
0x1e: {  	[sflag:s14] =	ssyncset.done $0x0  }
0x1f: {  	s20 =	simm.s32 $0x0;
	[sflag:s14] =	ssyncadd.s32 $0xFFFFE700  }
0x20: {  	v0 =	vld [tilespmem:s20+$0x69C0]  }
0x21: {  	v1 =	vld [tilespmem:s20+$0x69D0]  }
0x22: {  	v2 =	vld [tilespmem:s20+$0x6980]  }
0x23: {  	v3 =	vld [tilespmem:s20+$0x6990]  }
0x24: {  	v4 =	vld [tilespmem:s20+$0x6940]  }
0x25: {  	v5 =	vld [tilespmem:s20+$0x6950]  }
0x26: {  	v6 =	vld [tilespmem:s20+$0x6900]  }
0x27: {  	v7 =	vld [tilespmem:s20+$0x6910]  }
0x28: {  	v9 =	vld [tilespmem:s20+$0x68C0]  }
0x29: {  	v8 =	vld [tilespmem:s20+$0x68D0]  }
0x2a: {  	v11 =	vld [tilespmem:s20+$0x6880]  }
0x2b: {  	v10 =	vld [tilespmem:s20+$0x6890]  }
0x2c: {  	v17 =	vld [tilespmem:s20+$0x6840]  }
0x2d: {  	v16 =	vld [tilespmem:s20+$0x6850]  }
0x2e: {  	v18 =	vld [tilespmem:s20+$0x6800]  }
0x2f: {  	v12 =	vimm.f32 $0.0e+00;
	v20 =	vld [tilespmem:s20+$0x6810]  }
0x30: {  	s21 =	sshll.u32 s18, $0x1;
	s22 =	simm.s32 $0x800;
	v15 =	vimm.f32 $0.0e+00;
	v14 =	vimm.f32 $0.0e+00;
	v13 =	vimm.f32 $0.0e+00;
	v19 =	vld [tilespmem:s20+$0x6820]  }
.LBB2_3:
0x31: {  	p0 =	sne.s32 s22, $0xC000;
	v21 =	vld [tilespmem:s20+$0x6830]  }
0x32: {  	v22 =	vld [tilespmem:s20+$0x6860]  }
0x33: {  	v23 =	vld [tilespmem:s20+$0x6870]  }
0x34: {  	v24 =	vld [tilespmem:s20+$0x68A0]  }
0x35: {  	v12 =	vadd.f32 v18, v12;
	v15 =	vadd.f32 v20, v15;
	v18 =	vld [tilespmem:s20+$0x68B0]  }
0x36: {  	v14 =	vadd.f32 v19, v14;
	v13 =	vadd.f32 v21, v13;
	v19 =	vld [tilespmem:s20+$0x68E0]  }
0x37: {  	v12 =	vadd.f32 v17, v12;
	v15 =	vadd.f32 v16, v15;
	v16 =	vld [tilespmem:s20+$0x68F0]  }
0x38: {  	v14 =	vadd.f32 v22, v14;
	v13 =	vadd.f32 v23, v13;
	v17 =	vld [tilespmem:s20+$0x6920]  }
0x39: {  	v11 =	vadd.f32 v11, v12;
	v10 =	vadd.f32 v10, v15;
	v12 =	vld [tilespmem:s20+$0x6930]  }
0x3a: {  	v14 =	vadd.f32 v24, v14;
	v13 =	vadd.f32 v18, v13;
	v15 =	vld [tilespmem:s20+$0x6960]  }
0x3b: {  	v9 =	vadd.f32 v9, v11;
	v8 =	vadd.f32 v8, v10;
	v10 =	vld [tilespmem:s20+$0x6970]  }
0x3c: {  	v11 =	vadd.f32 v19, v14;
	v13 =	vadd.f32 v16, v13;
	v14 =	vld [tilespmem:s20+$0x69A0]  }
0x3d: {  	v6 =	vadd.f32 v6, v9;
	v7 =	vadd.f32 v7, v8;
	v8 =	vld [tilespmem:s20+$0x69B0]  }
0x3e: {  	v9 =	vadd.f32 v17, v11;
	v11 =	vadd.f32 v12, v13;
	v13 =	vld [tilespmem:s20+$0x69E0]  }
0x3f: {  	v4 =	vadd.f32 v4, v6;
	v5 =	vadd.f32 v5, v7;
	v6 =	vld [tilespmem:s20+$0x69F0];
	s20 =	sshra.s32 s22, $0x2  }
0x40: {  	v9 =	vadd.f32 v15, v9;
	v7 =	vld [tilespmem:s20+$0x69C0];
	v10 =	vadd.f32 v10, v11  }
0x41: {  	v4 =	vadd.f32 v2, v4;
	v5 =	vadd.f32 v3, v5;
	v11 =	vld [tilespmem:s20+$0x69D0]  }
0x42: {  	v9 =	vadd.f32 v14, v9;
	v2 =	vld [tilespmem:s20+$0x6980];
	v8 =	vadd.f32 v8, v10  }
0x43: {  	v12 =	vadd.f32 v0, v4;
	v15 =	vadd.f32 v1, v5;
	v3 =	vld [tilespmem:s20+$0x6990]  }
0x44: {  	v14 =	vadd.f32 v13, v9;
	v4 =	vld [tilespmem:s20+$0x6940];
	v13 =	vadd.f32 v6, v8  }
0x45: {  	v5 =	vld [tilespmem:s20+$0x6950];
	v0 =	vmov v7  }
0x46: {  	v6 =	vld [tilespmem:s20+$0x6900];
	v1 =	vmov v11  }
0x47: {  	v7 =	vld [tilespmem:s20+$0x6910]  }
0x48: {  	v9 =	vld [tilespmem:s20+$0x68C0]  }
0x49: {  	v8 =	vld [tilespmem:s20+$0x68D0]  }
0x4a: {  	v11 =	vld [tilespmem:s20+$0x6880]  }
0x4b: {  	v10 =	vld [tilespmem:s20+$0x6890]  }
.Ltmp0:
0x4c: {  	v17 =	vld [tilespmem:s20+$0x6840];
	(pc) =	sbr.rel @p0 .LBB2_3-.Ltmp0, $4  }
0x4d: {  	v16 =	vld [tilespmem:s20+$0x6850]  }
0x4e: {  	v18 =	vld [tilespmem:s20+$0x6800]  }
0x4f: {  	v20 =	vld [tilespmem:s20+$0x6810]  }
0x50: {  	s22 =	sadd.s32 $0x800, s22;
	v19 =	vld [tilespmem:s20+$0x6820]  }
0x51: {  	v21 =	vld [tilespmem:s20+$0x6830]  }
0x52: {  	v22 =	vld [tilespmem:s20+$0x6860]  }
0x53: {  	v23 =	vld [tilespmem:s20+$0x6870];
	v12 =	vadd.f32 v18, v12  }
0x54: {  	v18 =	vld [tilespmem:s20+$0x68A0];
	v15 =	vadd.f32 v20, v15  }
0x55: {  	v20 =	vld [tilespmem:s20+$0x68B0];
	v14 =	vadd.f32 v19, v14;
	v12 =	vadd.f32 v17, v12  }
0x56: {  	v17 =	vld [tilespmem:s20+$0x68E0];
	v13 =	vadd.f32 v21, v13;
	v15 =	vadd.f32 v16, v15  }
0x57: {  	v16 =	vld [tilespmem:s20+$0x68F0];
	v14 =	vadd.f32 v22, v14;
	v11 =	vadd.f32 v11, v12  }
0x58: {  	v12 =	vadd.f32 v23, v13;
	v13 =	vld [tilespmem:s20+$0x6920];
	v10 =	vadd.f32 v10, v15  }
0x59: {  	v15 =	vld [tilespmem:s20+$0x6930];
	v14 =	vadd.f32 v18, v14;
	v9 =	vadd.f32 v9, v11  }
0x5a: {  	v11 =	vadd.f32 v20, v12;
	v12 =	vld [tilespmem:s20+$0x6960];
	v8 =	vadd.f32 v8, v10  }
0x5b: {  	v10 =	vld [tilespmem:s20+$0x6970];
	v14 =	vadd.f32 v17, v14;
	v6 =	vadd.f32 v6, v9  }
0x5c: {  	v9 =	vadd.f32 v16, v11;
	v11 =	vld [tilespmem:s20+$0x69A0];
	v7 =	vadd.f32 v7, v8  }
0x5d: {  	v8 =	vld [tilespmem:s20+$0x69B0];
	v13 =	vadd.f32 v13, v14;
	v4 =	vadd.f32 v4, v6  }
0x5e: {  	v6 =	vadd.f32 v15, v9;
	v9 =	vld [tilespmem:s20+$0x69E0];
	v5 =	vadd.f32 v5, v7  }
0x5f: {  	v7 =	vld [tilespmem:s20+$0x69F0];
	v12 =	vadd.f32 v12, v13;
	v2 =	vadd.f32 v2, v4  }
0x60: {  	v4 =	vadd.f32 v10, v6;
	v3 =	vadd.f32 v3, v5  }
0x61: {  	s29 =	sshll.u32 s18, $0x7;
	v5 =	vadd.f32 v11, v12;
	v0 =	vadd.f32 v0, v2  }
0x62: {  	s21 =	smin.u32 s21, $0x7D;
	s20 =	sand.u32 $0x3FFFFF80, s29;
	v2 =	vadd.f32 v8, v4;
	v1 =	vadd.f32 v1, v3  }
0x63: {  	s21 =	smul.u32 $0x340, s21;
	v3 =	vadd.f32 v9, v5;
	[tilespmem:s20+$0xCC00] =	vst v0  }
0x64: {  	v0 =	vadd.f32 v7, v2;
	[tilespmem:s20+$0xCC10] =	vst v1  }
0x65: {  	s21 =	sshrl.u32 s21, $0x2;
	[tilespmem:s20+$0xCC20] =	vst v3  }
0x66: {  	s30 =	sadd.s32 $0x1A0, s21;
	[tilespmem:s20+$0xCC30] =	vst v0  }
0x67: {  	[tilespmem:s9], [sflag:$0x1] =	stream.indirect.gather [hbm4b:s3+s8], $0x40, s30, s8, $0xb8;
	[tilespmem:$0xEC00] =	vst v63  }
0x68: {  	s31 =	sadd.s32 $0x208, s21  }
0x69: {  	[tilespmem:s11], [sflag:$0x1] =	stream.indirect.gather [hbm4b:s3+s8], $0x40, s31, s8, $0xb8;
	[tilespmem:$0xEC00] =	vst v63  }
0x6a: {  	_ =	swait.ge [sflag:s15], $0x1900  }
0x6b: {  	[sflag:s15] =	ssyncset.done $0x0  }
0x6c: {  	[sflag:s15] =	ssyncadd.s32 $0xFFFFE700  }
0x6d: {  	_ =	swait.ge [sflag:s15], $0x1900  }
0x6e: {  	[sflag:s15] =	ssyncset.done $0x0  }
0x6f: {  	s20 =	simm.s32 $0x0;
	[sflag:s15] =	ssyncadd.s32 $0xFFFFE700  }
0x70: {  	v0 =	vld [tilespmem:s20+$0x9BC0]  }
0x71: {  	v1 =	vld [tilespmem:s20+$0x9BD0]  }
0x72: {  	v2 =	vld [tilespmem:s20+$0x9B80]  }
0x73: {  	v3 =	vld [tilespmem:s20+$0x9B90]  }
0x74: {  	v4 =	vld [tilespmem:s20+$0x9B40]  }
0x75: {  	v5 =	vld [tilespmem:s20+$0x9B50]  }
0x76: {  	v6 =	vld [tilespmem:s20+$0x9B00]  }
0x77: {  	v7 =	vld [tilespmem:s20+$0x9B10]  }
0x78: {  	v9 =	vld [tilespmem:s20+$0x9AC0]  }
0x79: {  	v8 =	vld [tilespmem:s20+$0x9AD0]  }
0x7a: {  	v11 =	vld [tilespmem:s20+$0x9A80]  }
0x7b: {  	v10 =	vld [tilespmem:s20+$0x9A90]  }
0x7c: {  	v17 =	vld [tilespmem:s20+$0x9A40]  }
0x7d: {  	v16 =	vld [tilespmem:s20+$0x9A50]  }
0x7e: {  	v19 =	vld [tilespmem:s20+$0x9A00]  }
0x7f: {  	v14 =	vimm.f32 $0.0e+00;
	v20 =	vld [tilespmem:s20+$0x9A10]  }
0x80: {  	s21 =	simm.s32 $0x800;
	v15 =	vimm.f32 $0.0e+00;
	v13 =	vimm.f32 $0.0e+00;
	v12 =	vimm.f32 $0.0e+00;
	v18 =	vld [tilespmem:s20+$0x9A20]  }
.LBB2_5:
0x81: {  	p0 =	sne.s32 s21, $0xC000;
	v21 =	vld [tilespmem:s20+$0x9A30]  }
0x82: {  	v22 =	vld [tilespmem:s20+$0x9A60]  }
0x83: {  	v23 =	vld [tilespmem:s20+$0x9A70]  }
0x84: {  	v24 =	vld [tilespmem:s20+$0x9AA0]  }
0x85: {  	v12 =	vadd.f32 v19, v12;
	v15 =	vadd.f32 v20, v15;
	v19 =	vld [tilespmem:s20+$0x9AB0]  }
0x86: {  	v14 =	vadd.f32 v18, v14;
	v13 =	vadd.f32 v21, v13;
	v18 =	vld [tilespmem:s20+$0x9AE0]  }
0x87: {  	v12 =	vadd.f32 v17, v12;
	v15 =	vadd.f32 v16, v15;
	v16 =	vld [tilespmem:s20+$0x9AF0]  }
0x88: {  	v14 =	vadd.f32 v22, v14;
	v13 =	vadd.f32 v23, v13;
	v17 =	vld [tilespmem:s20+$0x9B20]  }
0x89: {  	v11 =	vadd.f32 v11, v12;
	v10 =	vadd.f32 v10, v15;
	v12 =	vld [tilespmem:s20+$0x9B30]  }
0x8a: {  	v14 =	vadd.f32 v24, v14;
	v13 =	vadd.f32 v19, v13;
	v15 =	vld [tilespmem:s20+$0x9B60]  }
0x8b: {  	v9 =	vadd.f32 v9, v11;
	v8 =	vadd.f32 v8, v10;
	v10 =	vld [tilespmem:s20+$0x9B70]  }
0x8c: {  	v11 =	vadd.f32 v18, v14;
	v13 =	vadd.f32 v16, v13;
	v14 =	vld [tilespmem:s20+$0x9BA0]  }
0x8d: {  	v6 =	vadd.f32 v6, v9;
	v7 =	vadd.f32 v7, v8;
	v8 =	vld [tilespmem:s20+$0x9BB0]  }
0x8e: {  	v9 =	vadd.f32 v17, v11;
	v11 =	vadd.f32 v12, v13;
	v13 =	vld [tilespmem:s20+$0x9BE0]  }
0x8f: {  	v4 =	vadd.f32 v4, v6;
	v5 =	vadd.f32 v5, v7;
	v6 =	vld [tilespmem:s20+$0x9BF0];
	s20 =	sshra.s32 s21, $0x2  }
0x90: {  	v9 =	vadd.f32 v15, v9;
	v7 =	vld [tilespmem:s20+$0x9BC0];
	v10 =	vadd.f32 v10, v11  }
0x91: {  	v4 =	vadd.f32 v2, v4;
	v5 =	vadd.f32 v3, v5;
	v11 =	vld [tilespmem:s20+$0x9BD0]  }
0x92: {  	v9 =	vadd.f32 v14, v9;
	v2 =	vld [tilespmem:s20+$0x9B80];
	v8 =	vadd.f32 v8, v10  }
0x93: {  	v12 =	vadd.f32 v0, v4;
	v15 =	vadd.f32 v1, v5;
	v3 =	vld [tilespmem:s20+$0x9B90]  }
0x94: {  	v14 =	vadd.f32 v13, v9;
	v4 =	vld [tilespmem:s20+$0x9B40];
	v13 =	vadd.f32 v6, v8  }
0x95: {  	v5 =	vld [tilespmem:s20+$0x9B50];
	v0 =	vmov v7  }
0x96: {  	v6 =	vld [tilespmem:s20+$0x9B00];
	v1 =	vmov v11  }
0x97: {  	v7 =	vld [tilespmem:s20+$0x9B10]  }
0x98: {  	v9 =	vld [tilespmem:s20+$0x9AC0]  }
0x99: {  	v8 =	vld [tilespmem:s20+$0x9AD0]  }
0x9a: {  	v11 =	vld [tilespmem:s20+$0x9A80]  }
0x9b: {  	v10 =	vld [tilespmem:s20+$0x9A90]  }
.Ltmp1:
0x9c: {  	v17 =	vld [tilespmem:s20+$0x9A40];
	(pc) =	sbr.rel @p0 .LBB2_5-.Ltmp1, $4  }
0x9d: {  	v16 =	vld [tilespmem:s20+$0x9A50]  }
0x9e: {  	v19 =	vld [tilespmem:s20+$0x9A00]  }
0x9f: {  	v20 =	vld [tilespmem:s20+$0x9A10]  }
0xa0: {  	s21 =	sadd.s32 $0x800, s21;
	v18 =	vld [tilespmem:s20+$0x9A20]  }
0xa1: {  	v21 =	vld [tilespmem:s20+$0x9A30]  }
0xa2: {  	v22 =	vld [tilespmem:s20+$0x9A60]  }
0xa3: {  	v23 =	vld [tilespmem:s20+$0x9A70];
	v12 =	vadd.f32 v19, v12  }
0xa4: {  	v43 =	vld [tilespmem:s20+$0x9AA0];
	v15 =	vadd.f32 v20, v15  }
0xa5: {  	v44 =	vld [tilespmem:s20+$0x9AB0];
	v14 =	vadd.f32 v18, v14;
	v12 =	vadd.f32 v17, v12  }
0xa6: {  	v45 =	vld [tilespmem:s20+$0x9AE0];
	v13 =	vadd.f32 v21, v13;
	v15 =	vadd.f32 v16, v15  }
0xa7: {  	v46 =	vld [tilespmem:s20+$0x9AF0];
	v14 =	vadd.f32 v22, v14;
	v11 =	vadd.f32 v11, v12  }
0xa8: {  	v48 =	vld [tilespmem:s20+$0x9B20];
	v47 =	vadd.f32 v23, v13;
	v10 =	vadd.f32 v10, v15  }
0xa9: {  	v49 =	vld [tilespmem:s20+$0x9B30];
	v14 =	vadd.f32 v43, v14;
	v9 =	vadd.f32 v9, v11  }
0xaa: {  	v51 =	vld [tilespmem:s20+$0x9B60];
	v50 =	vadd.f32 v44, v47;
	v8 =	vadd.f32 v8, v10  }
0xab: {  	v52 =	vld [tilespmem:s20+$0x9B70];
	v14 =	vadd.f32 v45, v14;
	v6 =	vadd.f32 v6, v9  }
0xac: {  	v54 =	vld [tilespmem:s20+$0x9BA0];
	v53 =	vadd.f32 v46, v50;
	v7 =	vadd.f32 v7, v8  }
0xad: {  	v55 =	vld [tilespmem:s20+$0x9BB0];
	v13 =	vadd.f32 v48, v14;
	v4 =	vadd.f32 v4, v6  }
0xae: {  	v57 =	vld [tilespmem:s20+$0x9BE0];
	v56 =	vadd.f32 v49, v53;
	v5 =	vadd.f32 v5, v7  }
0xaf: {  	v58 =	vld [tilespmem:s20+$0x9BF0];
	v12 =	vadd.f32 v51, v13;
	v2 =	vadd.f32 v2, v4  }
0xb0: {  	s18 =	sadd.s32 $0x1, s18;
	v59 =	vadd.f32 v52, v56;
	v3 =	vadd.f32 v3, v5  }
0xb1: {  	s19 =	sshll.u32 s19, $0x6;
	p0 =	sne.s32 s18, $0x40;
	v60 =	vadd.f32 v54, v12;
	v0 =	vadd.f32 v0, v2  }
.Ltmp2:
0xb2: {  	s19 =	sand.u32 $0x3FFFFFC0, s19;
	v61 =	vadd.f32 v55, v59;
	v1 =	vadd.f32 v1, v3;
	(pc) =	sbr.rel @p0 .LBB2_2-.Ltmp2, $4  }
0xb3: {  	v62 =	vadd.f32 v57, v60;
	[tilespmem:s19+$0xCC00] =	vst v0  }
0xb4: {  	v63 =	vadd.f32 v58, v61;
	[tilespmem:s19+$0xCC10] =	vst v1  }
0xb5: {  	[tilespmem:s19+$0xCC20] =	vst v62  }
0xb6: {  	[tilespmem:s19+$0xCC30] =	vst v63  }
0xb7: {  	_ =	swait.ge [sflag:s14], $0x1900  }
0xb8: {  	[sflag:s14] =	ssyncset.done $0x0  }
0xb9: {  	[sflag:s14] =	ssyncadd.s32 $0xFFFFE700  }
0xba: {  	s17 =	sadd.s32 $0x1, s17;
	_ =	swait.ge [sflag:s14], $0x1900  }
0xbb: {  	p0 =	sne.s32 s17, s6;
	[sflag:s14] =	ssyncset.done $0x0  }
.Ltmp3:
0xbc: {  	[sflag:s14] =	ssyncadd.s32 $0xFFFFE700;
	(pc) =	sbr.rel @p0 .LBB2_1-.Ltmp3, $4  }
0xbd: {  	[hbm4b:s5+s2] =	stream.linear.scatter [tilespmem:s16], [sflag:$0x3], $0x2000, $0x38;
	[tilespmem:$0xEC00] =	vst v63  }
0xbe: {  	_ =	swait.ge [sflag:s7], $0x2000  }
0xbf: {  	[sflag:s7] =	ssyncset.done $0x0  }
0xc0: {  	[sflag:s7] =	ssyncadd.s32 $0xFFFFE000  }
0xc1: {  	_ =	sfence.sel $0x180000  }
0xc2: {  	[bflag:$0x0] =	sbarrier.arrive $0xFFFF  }
0xc3: {  	p0 =	sne.s32 s0, $0x0;
	_ =	strace $0x90000047  }
0xc4: {  	s0 =	sadd.s32 @!p0 $0x100000, s1;
	[bflag:$0x2] =	sbarrier.arrive $0xFFFF  }
0xc5: {  	[sflag:s0] =	ssyncadd.tile.s32 @!p0 $0x1;
	_ =	shalt  }
.Lfunc_end2:
_tile_overlayer_lowered:
.L_overlay_start_2:
0xc6: {  	(tag) =	ssettag $0x2  }
0xc7: {  	s0 =	rddreg [dreg:$0x0];
	s2 =	stileid.u32  }
0xc8: {  	s1 =	rddreg [dreg:$0x1];
	p0 =	sne.s32 s2, $0x0  }
0xc9: {  	s3 =	rddreg [dreg:$0x2];
	[bflag:$0x3] =	sbarrier.arrive $0xFFFF;
	s2 =	simm.s32 @!p0 $0x1C03  }
0xca: {  	[timem:s3], [sflag:s2] =	dma.local @!p0 [hbm:s0], s1  }
0xcb: {  	s0 =	simm.s32 @!p0 $0x3  }
0xcc: {  	_ =	swait.ge @!p0 [sflag:s0], s1  }
0xcd: {  	s1 =	ssub.s32 @!p0 $0x0, s1;
	[sflag:s0] =	ssyncset.done @!p0 $0x0  }
0xce: {  	[sflag:s0] =	ssyncadd.s32 @!p0 s1  }
0xcf: {  	[bflag:$0x3] =	sbarrier.arrive $0xFFFF  }
0xd0: {  	_ =	shalt  }

</sc_bundles>
